<compile_context>
chip_gen: v7x
topology: tpu7x:2x2x1
jax: 0.10.2.dev20260603
libtpu: 0.0.44.dev20260713+nightly
codegen_flags: <defaults>
</compile_context>

<pallas_src>
import functools

import jax
import jax.numpy as jnp
from jax import lax
from jax.experimental import pallas as pl
from jax.experimental.pallas import tpu as pltpu
from jax.experimental.pallas import tpu_sc as plsc

N = 10000
NP = 10112
D = 128
E = 320000
NSETS = 6
NC = 2
NS = 16
CH = 128
NH = 4
NCH = 40
EPT = NH * NCH * CH
EPAD = NS * EPT
RPT = NP // NS
TPC = NSETS // NC

_f32 = jnp.float32
_i32 = jnp.int32



def _sc_mesh():
    return plsc.VectorSubcoreMesh(core_axis_name="c", subcore_axis_name="s")


def _deg_body(dsts, zeros1, deg_out, dst_v, ones_v, acc1):
    cid = lax.axis_index("c")
    sid = lax.axis_index("s")
    for i in range(CH // 16):
        ones_v[pl.ds(i * 16, 16)] = jnp.full((16,), 1.0, _f32)
    for t in range(TPC):
        task = cid * TPC + t

        @pl.when(sid == 0)
        def _():
            pltpu.sync_copy(zeros1, acc1)

        plsc.subcore_barrier()
        for h in range(NH):
            pltpu.sync_copy(dsts.at[task].at[sid].at[h], dst_v)

            def step(j, carry):
                pltpu.sync_copy(ones_v, acc1.at[dst_v.at[j]], add=True)
                return carry

            lax.fori_loop(0, NCH, step, 0)
        plsc.subcore_barrier()

        @pl.when(sid == 0)
        def _():
            pltpu.sync_copy(acc1, deg_out.at[task])

        plsc.subcore_barrier()


def _scat_body(tables, srcs, dsts, zeros2, out, src_v, dst_v, rows,
               acc, sem0, sem1):
    cid = lax.axis_index("c")
    sid = lax.axis_index("s")
    sems = (sem0, sem1)

    def gather(j, b):
        return pltpu.make_async_copy(tables.at[src_v.at[j]], rows.at[b],
                                     sems[b])

    def gstart(j, b):
        gather(j, b).start()

    def gwait(j, b):
        gather(j, b).wait()

    def scatter(j, b):
        pltpu.sync_copy(rows.at[b], acc.at[dst_v.at[j]], add=True)

    for t in range(TPC):
        task = cid * TPC + t
        pltpu.sync_copy(zeros2.at[pl.ds(sid * RPT, RPT)],
                        acc.at[pl.ds(sid * RPT, RPT)])
        plsc.subcore_barrier()
        for h in range(NH):
            pltpu.sync_copy(srcs.at[task].at[sid].at[h], src_v)
            pltpu.sync_copy(dsts.at[task].at[sid].at[h], dst_v)
            gstart(0, 0)

            def step(k, carry):
                j0 = 2 * k
                j1 = j0 + 1
                gstart(j1, 1)
                gwait(j0, 0)
                scatter(j0, 0)

                @pl.when(j0 + 2 < NCH)
                def _():
                    gstart(j0 + 2, 0)

                gwait(j1, 1)
                scatter(j1, 1)
                return carry

            lax.fori_loop(0, NCH // 2, step, 0)
        plsc.subcore_barrier()
        pltpu.sync_copy(acc.at[pl.ds(sid * RPT, RPT)],
                        out.at[task].at[pl.ds(sid * RPT, RPT)])
        plsc.subcore_barrier()


@functools.partial(jax.jit, static_argnums=())
def _sc_degrees(dsts, zeros1):
    k = pl.kernel(
        _deg_body,
        out_type=jax.ShapeDtypeStruct((NSETS, NP), _f32),
        mesh=_sc_mesh(),
        scratch_types=[
            pltpu.VMEM((NCH, CH), _i32),
            pltpu.VMEM((CH,), _f32),
            pltpu.VMEM_SHARED((NP,), _f32),
        ],
    )
    return k(dsts, zeros1)


def _sc_scatter(tables_flat, srcs, dsts, zeros2):
    k = pl.kernel(
        _scat_body,
        out_type=jax.ShapeDtypeStruct((NSETS, NP, D), _f32),
        mesh=_sc_mesh(),
        scratch_types=[
            pltpu.VMEM((NCH, CH), _i32),
            pltpu.VMEM((NCH, CH), _i32),
            pltpu.VMEM((2, CH, D), _f32),
            pltpu.VMEM_SHARED((NP, D), _f32),
            pltpu.SemaphoreType.DMA,
            pltpu.SemaphoreType.DMA,
        ],
    )
    return k(tables_flat, srcs, dsts, zeros2)



BLKP = 2000
BLK = 1000


def _prep_body(deg_ref, x_ref, scal_ref, tab_ref):
    s = pl.program_id(0)
    d = deg_ref[0]
    is_int = jnp.logical_or(s == 2, s == 5)
    scale = jnp.where(is_int, 1.0 / jnp.maximum(d, 1.0), lax.rsqrt(d + 1.0))
    scal_ref[0] = scale
    tab_ref[0] = x_ref[0] * jnp.where(is_int, 1.0, scale)


def _tc_prep(deg3, xsrc):
    return pl.pallas_call(
        _prep_body,
        grid=(NSETS, N // BLKP),
        in_specs=[
            pl.BlockSpec((1, BLKP, 1), lambda s, i: (s, i, 0)),
            pl.BlockSpec((1, BLKP, D), lambda s, i: (s, i, 0)),
        ],
        out_specs=[
            pl.BlockSpec((1, BLKP, 1), lambda s, i: (s, i, 0)),
            pl.BlockSpec((1, BLKP, D), lambda s, i: (s, i, 0)),
        ],
        out_shape=[
            jax.ShapeDtypeStruct((NSETS, N, 1), _f32),
            jax.ShapeDtypeStruct((NSETS, N, D), _f32),
        ],
    )(deg3, xsrc)


def _combine1_body(all_ref, app_ref, ai_ref, sll_ref, spp_ref, ci_ref,
                   tll_ref, tpp_ref, xp_ref, w_ref, b_ref, tab2_ref, p1_ref):
    w = w_ref[0]
    b = b_ref[0]
    sll = sll_ref[0]
    spp = spp_ref[0]
    ci = ci_ref[0]
    gll = sll * (all_ref[0] + tll_ref[0])
    l1 = jnp.maximum(
        jnp.dot(gll, w[0], preferred_element_type=_f32) + b[0], 0.0)
    mean = ci * ai_ref[0]
    gpp = spp * (app_ref[0] + tpp_ref[0])
    p1 = jnp.maximum(
        jnp.dot(mean, w[1], preferred_element_type=_f32) + b[1]
        + jnp.dot(xp_ref[0], w[2], preferred_element_type=_f32)
        + jnp.dot(gpp, w[3], preferred_element_type=_f32) + b[2], 0.0)
    tab2_ref[0] = sll * l1
    tab2_ref[1] = spp * p1
    tab2_ref[2] = l1
    p1_ref[0] = p1


def _tc_combine1(aggs, scal, tab1, xsrc, w1, b1):
    agg_spec = lambda slot: pl.BlockSpec(
        (1, BLK, D), lambda v, i, s=slot: (3 * v + s, i, 0))
    scal_spec = lambda slot: pl.BlockSpec(
        (1, BLK, 1), lambda v, i, s=slot: (3 * v + s, i, 0))
    return pl.pallas_call(
        _combine1_body,
        grid=(2, N // BLK),
        in_specs=[
            agg_spec(0), agg_spec(1), agg_spec(2),
            scal_spec(0), scal_spec(1), scal_spec(2),
            agg_spec(0), agg_spec(1),
            agg_spec(1),
            pl.BlockSpec((1, 4, D, D), lambda v, i: (v, 0, 0, 0)),
            pl.BlockSpec((1, 3, D), lambda v, i: (v, 0, 0)),
        ],
        out_specs=[
            pl.BlockSpec((3, BLK, D), lambda v, i: (v, i, 0)),
            pl.BlockSpec((1, BLK, D), lambda v, i: (v, i, 0)),
        ],
        out_shape=[
            jax.ShapeDtypeStruct((NSETS, N, D), _f32),
            jax.ShapeDtypeStruct((2, N, D), _f32),
        ],
    )(aggs, aggs, aggs, scal, scal, scal, tab1, tab1, xsrc, w1, b1)


def _combine2_body(all_ref, app_ref, ai_ref, sll_ref, spp_ref, ci_ref,
                   tll_ref, tpp_ref, p1_ref, w_ref, b_ref, lnc_ref, prot_ref):
    w = w_ref[0]
    b = b_ref[0]
    sll = sll_ref[0]
    spp = spp_ref[0]
    ci = ci_ref[0]
    gll = sll * (all_ref[0] + tll_ref[0])
    lnc_ref[...] = jnp.dot(gll, w[0], preferred_element_type=_f32) + b[0]
    mean = ci * ai_ref[0]
    gpp = spp * (app_ref[0] + tpp_ref[0])
    prot_ref[...] = (
        jnp.dot(mean, w[1], preferred_element_type=_f32) + b[1]
        + jnp.dot(p1_ref[0], w[2], preferred_element_type=_f32)
        + jnp.dot(gpp, w[3], preferred_element_type=_f32) + b[2])


def _tc_combine2(aggs, scal, tab2, p1, w2, b2):
    agg_spec = lambda slot: pl.BlockSpec(
        (1, BLK, D), lambda v, i, s=slot: (3 * v + s, i, 0))
    scal_spec = lambda slot: pl.BlockSpec(
        (1, BLK, 1), lambda v, i, s=slot: (3 * v + s, i, 0))
    return pl.pallas_call(
        _combine2_body,
        grid=(2, N // BLK),
        in_specs=[
            agg_spec(0), agg_spec(1), agg_spec(2),
            scal_spec(0), scal_spec(1), scal_spec(2),
            agg_spec(0), agg_spec(1),
            pl.BlockSpec((1, BLK, D), lambda v, i: (v, i, 0)),
            pl.BlockSpec((1, 4, D, D), lambda v, i: (v, 0, 0, 0)),
            pl.BlockSpec((1, 3, D), lambda v, i: (v, 0, 0)),
        ],
        out_specs=[
            pl.BlockSpec((BLK, D), lambda v, i: (i, v)),
            pl.BlockSpec((BLK, D), lambda v, i: (i, v)),
        ],
        out_shape=[
            jax.ShapeDtypeStruct((N, 2 * D), _f32),
            jax.ShapeDtypeStruct((N, 2 * D), _f32),
        ],
    )(aggs, aggs, aggs, scal, scal, scal, tab2, tab2, p1, w2, b2)



def _prep_edges(ei, s):
    pad = EPAD - E
    src = jnp.concatenate(
        [ei[0].astype(_i32) + s * N, jnp.full((pad,), s * N, _i32)])
    dst = jnp.concatenate([ei[1].astype(_i32), jnp.full((pad,), N, _i32)])
    return (src.reshape(NS, NH, NCH, CH), dst.reshape(NS, NH, NCH, CH))


def _wstack(p, view, layer):
    pre = view + layer + "_"
    w = jnp.stack([p[pre + "gcn_ll_W"], p[pre + "sage_Wl"],
                   p[pre + "sage_Wr"], p[pre + "gcn_pp_W"]])
    b = jnp.stack([p[pre + "gcn_ll_b"], p[pre + "sage_bl"],
                   p[pre + "gcn_pp_b"]])
    return w, b


def kernel(x_lnc_jac, x_prot_jac, x_lnc_blast, x_prot_blast,
           ei_int_jac, ei_ll_jac, ei_pp_jac,
           ei_int_blast, ei_ll_blast, ei_pp_blast, params):
    eis = [ei_ll_jac, ei_pp_jac, ei_int_jac,
           ei_ll_blast, ei_pp_blast, ei_int_blast]
    pairs = [_prep_edges(ei, s) for s, ei in enumerate(eis)]
    srcs = jnp.stack([pr[0] for pr in pairs])
    dsts = jnp.stack([pr[1] for pr in pairs])

    zeros1 = jnp.zeros((NP,), _f32)
    zeros2 = jnp.zeros((NP, D), _f32)

    deg = _sc_degrees(dsts, zeros1)
    deg3 = deg[:, :N].reshape(NSETS, N, 1)

    xsrc = jnp.stack([x_lnc_jac, x_prot_jac, x_lnc_jac,
                      x_lnc_blast, x_prot_blast, x_lnc_blast])
    scal, tab1 = _tc_prep(deg3, xsrc)

    aggs1 = _sc_scatter(tab1.reshape(NSETS * N, D), srcs, dsts, zeros2)

    w1 = jnp.stack([_wstack(params, v, "1")[0] for v in ("jac", "bla")])
    b1 = jnp.stack([_wstack(params, v, "1")[1] for v in ("jac", "bla")])
    tab2, p1 = _tc_combine1(aggs1, scal, tab1, xsrc, w1, b1)

    aggs2 = _sc_scatter(tab2.reshape(NSETS * N, D), srcs, dsts, zeros2)

    w2 = jnp.stack([_wstack(params, v, "2")[0] for v in ("jac", "bla")])
    b2 = jnp.stack([_wstack(params, v, "2")[1] for v in ("jac", "bla")])
    out_lnc, out_prot = _tc_combine2(aggs2, scal, tab2, p1, w2, b2)
    return (out_lnc, out_prot)

# --- scband reference (transcript-rebuilt; emitter-appended) ---
"""Pipeline reference for scband-hetero-gnn-87986700026404 (READ-ONLY COPY).

The authoritative reference and input builder live on the scoring server;
editing this copy changes nothing except your own understanding.
"""

import jax, jax.numpy as jnp
import numpy as np

N_LNC = 10000
N_PROT = 10000
E = 320000
D_IN = 128
D_H = 128
D_OUT = 128


def _p(k, shape):
    return jax.random.normal(k, shape, jnp.float32) * 0.05


def setup_inputs(seed: int = 0):
    key = jax.random.key(seed)

    def k(i):
        return jax.random.fold_in(key, i)

    inp = {}
    inp["x_lnc_jac"] = jax.random.normal(k(0), (N_LNC, D_IN), jnp.float32)
    inp["x_prot_jac"] = jax.random.normal(k(1), (N_PROT, D_IN), jnp.float32)
    inp["x_lnc_blast"] = jax.random.normal(k(2), (N_LNC, D_IN), jnp.float32)
    inp["x_prot_blast"] = jax.random.normal(k(3), (N_PROT, D_IN), jnp.float32)

    def mk_ei(i, n_src, n_dst):
        return jnp.stack([
            jax.random.randint(k(10 + 2 * i), (E,), 0, n_src),
            jax.random.randint(k(11 + 2 * i), (E,), 0, n_dst),
        ])

    inp["ei_int_jac"] = mk_ei(0, N_LNC, N_PROT)
    inp["ei_ll_jac"] = mk_ei(1, N_LNC, N_LNC)
    inp["ei_pp_jac"] = mk_ei(2, N_PROT, N_PROT)
    inp["ei_int_blast"] = mk_ei(3, N_LNC, N_PROT)
    inp["ei_ll_blast"] = mk_ei(4, N_LNC, N_LNC)
    inp["ei_pp_blast"] = mk_ei(5, N_PROT, N_PROT)

    params = {}
    i = 100
    for view in ["jac", "bla"]:
        for layer, (din, dout) in [("1", (D_IN, D_H)), ("2", (D_H, D_OUT))]:
            pre = view + layer + "_"
            params[pre + "sage_Wl"] = _p(k(i), (din, dout)); i += 1
            params[pre + "sage_bl"] = _p(k(i), (dout,)); i += 1
            params[pre + "sage_Wr"] = _p(k(i), (din, dout)); i += 1
            params[pre + "gcn_ll_W"] = _p(k(i), (din, dout)); i += 1
            params[pre + "gcn_ll_b"] = _p(k(i), (dout,)); i += 1
            params[pre + "gcn_pp_W"] = _p(k(i), (din, dout)); i += 1
            params[pre + "gcn_pp_b"] = _p(k(i), (dout,)); i += 1
    inp["params"] = params
    return inp


def _gcn(x, ei, W, b):
    # PyG GCNConv: add self-loops, symmetric normalization D^-1/2 (A+I) D^-1/2 X W + b
    n = x.shape[0]
    loop = jnp.arange(n)
    src = jnp.concatenate([ei[0], loop])
    dst = jnp.concatenate([ei[1], loop])
    deg = jnp.zeros((n,), x.dtype).at[dst].add(1.0)
    dinv = jnp.where(deg > 0, 1.0 / jnp.sqrt(deg), 0.0)
    norm = dinv[src] * dinv[dst]
    h = x @ W
    out = jnp.zeros((n, W.shape[1]), x.dtype).at[dst].add(h[src] * norm[:, None])
    return out + b


def _sage(x_src, x_dst, ei, Wl, bl, Wr):
    # PyG SAGEConv (mean aggr, bipartite): lin_l(mean_j x_src_j) + lin_r(x_dst)
    n = x_dst.shape[0]
    cnt = jnp.zeros((n,), x_src.dtype).at[ei[1]].add(1.0)
    agg = jnp.zeros((n, x_src.shape[1]), x_src.dtype).at[ei[1]].add(x_src[ei[0]])
    mean = agg / jnp.clip(cnt, 1.0)[:, None]
    return mean @ Wl + bl + x_dst @ Wr


def _hetero(xl, xp, ei_int, ei_ll, ei_pp, p, pre):
    # HeteroConv aggr='sum': lncRNA dst gets GCN_ll only; protein dst gets SAGE + GCN_pp
    out_l = _gcn(xl, ei_ll, p[pre + "gcn_ll_W"], p[pre + "gcn_ll_b"])
    out_p = _sage(xl, xp, ei_int, p[pre + "sage_Wl"], p[pre + "sage_bl"], p[pre + "sage_Wr"]) + _gcn(xp, ei_pp, p[pre + "gcn_pp_W"], p[pre + "gcn_pp_b"])
    return out_l, out_p


def _view(xl, xp, ei_int, ei_ll, ei_pp, params, view):
    l1, p1 = _hetero(xl, xp, ei_int, ei_ll, ei_pp, params, view + "1_")
    l1 = jax.nn.relu(l1)
    p1 = jax.nn.relu(p1)
    l2, p2 = _hetero(l1, p1, ei_int, ei_ll, ei_pp, params, view + "2_")
    return l2, p2


def reference(x_lnc_jac, x_prot_jac, x_lnc_blast, x_prot_blast, ei_int_jac, ei_ll_jac, ei_pp_jac, ei_int_blast, ei_ll_blast, ei_pp_blast, params):
    lj, pj = _view(x_lnc_jac, x_prot_jac, ei_int_jac, ei_ll_jac, ei_pp_jac, params, "jac")
    lb, pb = _view(x_lnc_blast, x_prot_blast, ei_int_blast, ei_ll_blast, ei_pp_blast, params, "bla")
    out_lnc = jnp.concatenate([lj, lb], axis=1)
    out_prot = jnp.concatenate([pj, pb], axis=1)
    return (out_lnc, out_prot)

if __name__ == "__main__":
    import jax
    _d = setup_inputs()
    print(jax.jit(kernel)(*tuple(_d.values())))

</pallas_src>

<mosaic_0001>
#map = affine_map<(d0, d1) -> (0, 0, 0, 0, 0)>
#map1 = affine_map<(d0, d1) -> (0)>
#map2 = affine_map<(d0, d1) -> (0, 0)>
module attributes {stable_mosaic.version = 14 : i64} {
  func.func @_deg_body(%arg0: i32, %arg1: i32, %arg2: memref<6x16x4x40x128xi32, #tpu.memory_space<hbm>>, %arg3: memref<10112xf32, #tpu.memory_space<hbm>>, %arg4: memref<6x10112xf32, #tpu.memory_space<hbm>>, %arg5: memref<40x128xi32, #tpu.memory_space<vmem>>, %arg6: memref<128xf32, #tpu.memory_space<vmem>>, %arg7: memref<10112xf32, #tpu.memory_space<vmem_shared>>) attributes {dimension_semantics = [#tpu.dimension_semantics<core_parallel>, #tpu.dimension_semantics<subcore_parallel>], iteration_bounds = array<i64: 2, 16>, scalar_prefetch = 0 : i64, scratch_operands = 3 : i64, tpu.core_type = #tpu.core_type<sc_vector_subcore>, window_params = [{transform_indices = #map}, {transform_indices = #map1}, {transform_indices = #map2}]} {
    %broadcast_in_dim3A = arith.constant 1.000000e+00 : f32
    %broadcast_in_dim3A_0 = vector.broadcast %broadcast_in_dim3A : f32 to vector<16xf32>
    %swap3A = arith.constant 0 : index
    %swap3A_1 = tpu.vector_load %arg6[%swap3A] {strides = array<i32>} : memref<128xf32, #tpu.memory_space<vmem>>, vector<16xf32>,
    %swap3A_2 = vector.shape_cast %swap3A_1 : vector<16xf32> to vector<16xf32>
    %swap3A_3 = vector.shape_cast %broadcast_in_dim3A_0 : vector<16xf32> to vector<16xf32>
    tpu.vector_store %arg6[%swap3A], %swap3A_3 {strides = array<i32>} : memref<128xf32, #tpu.memory_space<vmem>>, vector<16xf32>,
    %broadcast_in_dim3A_4 = arith.constant 1.000000e+00 : f32
    %broadcast_in_dim3A_5 = vector.broadcast %broadcast_in_dim3A_4 : f32 to vector<16xf32>
    %swap3A_6 = arith.constant 16 : index
    %swap3A_7 = tpu.vector_load %arg6[%swap3A_6] {strides = array<i32>} : memref<128xf32, #tpu.memory_space<vmem>>, vector<16xf32>,
    %swap3A_8 = vector.shape_cast %swap3A_7 : vector<16xf32> to vector<16xf32>
    %swap3A_9 = vector.shape_cast %broadcast_in_dim3A_5 : vector<16xf32> to vector<16xf32>
    tpu.vector_store %arg6[%swap3A_6], %swap3A_9 {strides = array<i32>} : memref<128xf32, #tpu.memory_space<vmem>>, vector<16xf32>,
    %broadcast_in_dim3A_10 = arith.constant 1.000000e+00 : f32
    %broadcast_in_dim3A_11 = vector.broadcast %broadcast_in_dim3A_10 : f32 to vector<16xf32>
    %swap3A_12 = arith.constant 32 : index
    %swap3A_13 = tpu.vector_load %arg6[%swap3A_12] {strides = array<i32>} : memref<128xf32, #tpu.memory_space<vmem>>, vector<16xf32>,
    %swap3A_14 = vector.shape_cast %swap3A_13 : vector<16xf32> to vector<16xf32>
    %swap3A_15 = vector.shape_cast %broadcast_in_dim3A_11 : vector<16xf32> to vector<16xf32>
    tpu.vector_store %arg6[%swap3A_12], %swap3A_15 {strides = array<i32>} : memref<128xf32, #tpu.memory_space<vmem>>, vector<16xf32>,
    %broadcast_in_dim3A_16 = arith.constant 1.000000e+00 : f32
    %broadcast_in_dim3A_17 = vector.broadcast %broadcast_in_dim3A_16 : f32 to vector<16xf32>
    %swap3A_18 = arith.constant 48 : index
    %swap3A_19 = tpu.vector_load %arg6[%swap3A_18] {strides = array<i32>} : memref<128xf32, #tpu.memory_space<vmem>>, vector<16xf32>,
    %swap3A_20 = vector.shape_cast %swap3A_19 : vector<16xf32> to vector<16xf32>
    %swap3A_21 = vector.shape_cast %broadcast_in_dim3A_17 : vector<16xf32> to vector<16xf32>
    tpu.vector_store %arg6[%swap3A_18], %swap3A_21 {strides = array<i32>} : memref<128xf32, #tpu.memory_space<vmem>>, vector<16xf32>,
    %broadcast_in_dim3A_22 = arith.constant 1.000000e+00 : f32
    %broadcast_in_dim3A_23 = vector.broadcast %broadcast_in_dim3A_22 : f32 to vector<16xf32>
    %swap3A_24 = arith.constant 64 : index
    %swap3A_25 = tpu.vector_load %arg6[%swap3A_24] {strides = array<i32>} : memref<128xf32, #tpu.memory_space<vmem>>, vector<16xf32>,
    %swap3A_26 = vector.shape_cast %swap3A_25 : vector<16xf32> to vector<16xf32>
    %swap3A_27 = vector.shape_cast %broadcast_in_dim3A_23 : vector<16xf32> to vector<16xf32>
    tpu.vector_store %arg6[%swap3A_24], %swap3A_27 {strides = array<i32>} : memref<128xf32, #tpu.memory_space<vmem>>, vector<16xf32>,
    %broadcast_in_dim3A_28 = arith.constant 1.000000e+00 : f32
    %broadcast_in_dim3A_29 = vector.broadcast %broadcast_in_dim3A_28 : f32 to vector<16xf32>
    %swap3A_30 = arith.constant 80 : index
    %swap3A_31 = tpu.vector_load %arg6[%swap3A_30] {strides = array<i32>} : memref<128xf32, #tpu.memory_space<vmem>>, vector<16xf32>,
    %swap3A_32 = vector.shape_cast %swap3A_31 : vector<16xf32> to vector<16xf32>
    %swap3A_33 = vector.shape_cast %broadcast_in_dim3A_29 : vector<16xf32> to vector<16xf32>
    tpu.vector_store %arg6[%swap3A_30], %swap3A_33 {strides = array<i32>} : memref<128xf32, #tpu.memory_space<vmem>>, vector<16xf32>,
    %broadcast_in_dim3A_34 = arith.constant 1.000000e+00 : f32
    %broadcast_in_dim3A_35 = vector.broadcast %broadcast_in_dim3A_34 : f32 to vector<16xf32>
    %swap3A_36 = arith.constant 96 : index
    %swap3A_37 = tpu.vector_load %arg6[%swap3A_36] {strides = array<i32>} : memref<128xf32, #tpu.memory_space<vmem>>, vector<16xf32>,
    %swap3A_38 = vector.shape_cast %swap3A_37 : vector<16xf32> to vector<16xf32>
    %swap3A_39 = vector.shape_cast %broadcast_in_dim3A_35 : vector<16xf32> to vector<16xf32>
    tpu.vector_store %arg6[%swap3A_36], %swap3A_39 {strides = array<i32>} : memref<128xf32, #tpu.memory_space<vmem>>, vector<16xf32>,
    %broadcast_in_dim3A_40 = arith.constant 1.000000e+00 : f32
    %broadcast_in_dim3A_41 = vector.broadcast %broadcast_in_dim3A_40 : f32 to vector<16xf32>
    %swap3A_42 = arith.constant 112 : index
    %swap3A_43 = tpu.vector_load %arg6[%swap3A_42] {strides = array<i32>} : memref<128xf32, #tpu.memory_space<vmem>>, vector<16xf32>,
    %swap3A_44 = vector.shape_cast %swap3A_43 : vector<16xf32> to vector<16xf32>
    %swap3A_45 = vector.shape_cast %broadcast_in_dim3A_41 : vector<16xf32> to vector<16xf32>
    tpu.vector_store %arg6[%swap3A_42], %swap3A_45 {strides = array<i32>} : memref<128xf32, #tpu.memory_space<vmem>>, vector<16xf32>,
    %mul3A = arith.constant 3 : i32
    %mul3A_46 = arith.muli %arg0, %mul3A : i32
    %add3A = arith.constant 0 : i32
    %add3A_47 = arith.addi %mul3A_46, %add3A : i32
    %eq3A = arith.constant 0 : i32
    %eq3A_48 = arith.cmpi eq, %arg1, %eq3A : i32
    %convert_element_type3A = arith.extui %eq3A_48 : i1 to i32
    %cond3A = arith.constant 0 : i32
    %cond3A_49 = arith.cmpi ne, %convert_element_type3A, %cond3A : i32
    scf.if %cond3A_49 {
      "tpu.region"() ({
        %run_scoped3A_173 = tpu.sem_alloc : memref<!tpu.dma_semaphore, #tpu.memory_space<semaphore_mem>>
        tpu.enqueue_dma source(%arg3 : memref<10112xf32, #tpu.memory_space<hbm>>) target(%arg7 : memref<10112xf32, #tpu.memory_space<vmem_shared>>) target_semaphore(%run_scoped3A_173 : memref<!tpu.dma_semaphore, #tpu.memory_space<semaphore_mem>>)
        tpu.wait_dma2 semaphore(%run_scoped3A_173 : memref<!tpu.dma_semaphore, #tpu.memory_space<semaphore_mem>>) src(%arg3 : memref<10112xf32, #tpu.memory_space<hbm>>) dst(%arg7 : memref<10112xf32, #tpu.memory_space<vmem_shared>>)
        tpu.yield
      }) : () -> ()
    } else {
    }
    %barrier3A = arith.constant 0 : index
    tpu.barrier barrier_id(%barrier3A)
    %run_scoped3A = arith.constant 0 : i32
    "tpu.region"() ({
      %run_scoped3A_173 = tpu.sem_alloc : memref<!tpu.dma_semaphore, #tpu.memory_space<semaphore_mem>>
      %dma_start3A = arith.constant 0 : i32
      %dma_start3A_174 = arith.constant 0 : i32
      %dma_start3A_175 = arith.constant 0 : i32
      %dma_start3A_176 = arith.constant 0 : i32
      %dma_start3A_177 = tpu.memref_slice %arg2[%add3A_47, %dma_start3A, %dma_start3A_174, %dma_start3A_175, %dma_start3A_176] : memref<6x16x4x40x128xi32, #tpu.memory_space<hbm>> -> memref<1x16x4x40x128xi32, #tpu.memory_space<hbm>>
      %dma_start3A_178 = tpu.memref_squeeze %dma_start3A_177 : memref<1x16x4x40x128xi32, #tpu.memory_space<hbm>> -> memref<16x4x40x128xi32, #tpu.memory_space<hbm>>
      %dma_start3A_179 = arith.constant 0 : i32
      %dma_start3A_180 = arith.constant 0 : i32
      %dma_start3A_181 = arith.constant 0 : i32
      %dma_start3A_182 = tpu.memref_slice %dma_start3A_178[%arg1, %dma_start3A_179, %dma_start3A_180, %dma_start3A_181] : memref<16x4x40x128xi32, #tpu.memory_space<hbm>> -> memref<1x4x40x128xi32, #tpu.memory_space<hbm>>
      %dma_start3A_183 = tpu.memref_squeeze %dma_start3A_182 : memref<1x4x40x128xi32, #tpu.memory_space<hbm>> -> memref<4x40x128xi32, #tpu.memory_space<hbm>>
      %dma_start3A_184 = arith.constant 0 : i32
      %dma_start3A_185 = arith.constant 0 : i32
      %dma_start3A_186 = tpu.memref_slice %dma_start3A_183[%run_scoped3A, %dma_start3A_184, %dma_start3A_185] : memref<4x40x128xi32, #tpu.memory_space<hbm>> -> memref<1x40x128xi32, #tpu.memory_space<hbm>>
      %dma_start3A_187 = tpu.memref_squeeze %dma_start3A_186 : memref<1x40x128xi32, #tpu.memory_space<hbm>> -> memref<40x128xi32, #tpu.memory_space<hbm>>
      %dma_start3A_188 = arith.constant 0 : i32
      %dma_start3A_189 = arith.constant 0 : i32
      %dma_start3A_190 = arith.constant 0 : i32
      %dma_start3A_191 = arith.constant 0 : i32
      %dma_start3A_192 = tpu.memref_slice %arg2[%add3A_47, %dma_start3A_188, %dma_start3A_189, %dma_start3A_190, %dma_start3A_191] : memref<6x16x4x40x128xi32, #tpu.memory_space<hbm>> -> memref<1x16x4x40x128xi32, #tpu.memory_space<hbm>>
      %dma_start3A_193 = tpu.memref_squeeze %dma_start3A_192 : memref<1x16x4x40x128xi32, #tpu.memory_space<hbm>> -> memref<16x4x40x128xi32, #tpu.memory_space<hbm>>
      %dma_start3A_194 = arith.constant 0 : i32
      %dma_start3A_195 = arith.constant 0 : i32
      %dma_start3A_196 = arith.constant 0 : i32
      %dma_start3A_197 = tpu.memref_slice %dma_start3A_193[%arg1, %dma_start3A_194, %dma_start3A_195, %dma_start3A_196] : memref<16x4x40x128xi32, #tpu.memory_space<hbm>> -> memref<1x4x40x128xi32, #tpu.memory_space<hbm>>
      %dma_start3A_198 = tpu.memref_squeeze %dma_start3A_197 : memref<1x4x40x128xi32, #tpu.memory_space<hbm>> -> memref<4x40x128xi32, #tpu.memory_space<hbm>>
      %dma_start3A_199 = arith.constant 0 : i32
      %dma_start3A_200 = arith.constant 0 : i32
      %dma_start3A_201 = tpu.memref_slice %dma_start3A_198[%run_scoped3A, %dma_start3A_199, %dma_start3A_200] : memref<4x40x128xi32, #tpu.memory_space<hbm>> -> memref<1x40x128xi32, #tpu.memory_space<hbm>>
      %dma_start3A_202 = tpu.memref_squeeze %dma_start3A_201 : memref<1x40x128xi32, #tpu.memory_space<hbm>> -> memref<40x128xi32, #tpu.memory_space<hbm>>
      tpu.enqueue_dma source(%dma_start3A_202 : memref<40x128xi32, #tpu.memory_space<hbm>>) target(%arg5 : memref<40x128xi32, #tpu.memory_space<vmem>>) target_semaphore(%run_scoped3A_173 : memref<!tpu.dma_semaphore, #tpu.memory_space<semaphore_mem>>)
      %dma_wait3A = arith.constant 0 : i32
      %dma_wait3A_203 = arith.constant 0 : i32
      %dma_wait3A_204 = arith.constant 0 : i32
      %dma_wait3A_205 = arith.constant 0 : i32
      %dma_wait3A_206 = tpu.memref_slice %arg2[%add3A_47, %dma_wait3A, %dma_wait3A_203, %dma_wait3A_204, %dma_wait3A_205] : memref<6x16x4x40x128xi32, #tpu.memory_space<hbm>> -> memref<1x16x4x40x128xi32, #tpu.memory_space<hbm>>
      %dma_wait3A_207 = tpu.memref_squeeze %dma_wait3A_206 : memref<1x16x4x40x128xi32, #tpu.memory_space<hbm>> -> memref<16x4x40x128xi32, #tpu.memory_space<hbm>>
      %dma_wait3A_208 = arith.constant 0 : i32
      %dma_wait3A_209 = arith.constant 0 : i32
      %dma_wait3A_210 = arith.constant 0 : i32
      %dma_wait3A_211 = tpu.memref_slice %dma_wait3A_207[%arg1, %dma_wait3A_208, %dma_wait3A_209, %dma_wait3A_210] : memref<16x4x40x128xi32, #tpu.memory_space<hbm>> -> memref<1x4x40x128xi32, #tpu.memory_space<hbm>>
      %dma_wait3A_212 = tpu.memref_squeeze %dma_wait3A_211 : memref<1x4x40x128xi32, #tpu.memory_space<hbm>> -> memref<4x40x128xi32, #tpu.memory_space<hbm>>
      %dma_wait3A_213 = arith.constant 0 : i32
      %dma_wait3A_214 = arith.constant 0 : i32
      %dma_wait3A_215 = tpu.memref_slice %dma_wait3A_212[%run_scoped3A, %dma_wait3A_213, %dma_wait3A_214] : memref<4x40x128xi32, #tpu.memory_space<hbm>> -> memref<1x40x128xi32, #tpu.memory_space<hbm>>
      %dma_wait3A_216 = tpu.memref_squeeze %dma_wait3A_215 : memref<1x40x128xi32, #tpu.memory_space<hbm>> -> memref<40x128xi32, #tpu.memory_space<hbm>>
      %dma_wait3A_217 = arith.constant 0 : i32
      %dma_wait3A_218 = arith.constant 0 : i32
      %dma_wait3A_219 = arith.constant 0 : i32
      %dma_wait3A_220 = arith.constant 0 : i32
      %dma_wait3A_221 = tpu.memref_slice %arg2[%add3A_47, %dma_wait3A_217, %dma_wait3A_218, %dma_wait3A_219, %dma_wait3A_220] : memref<6x16x4x40x128xi32, #tpu.memory_space<hbm>> -> memref<1x16x4x40x128xi32, #tpu.memory_space<hbm>>
      %dma_wait3A_222 = tpu.memref_squeeze %dma_wait3A_221 : memref<1x16x4x40x128xi32, #tpu.memory_space<hbm>> -> memref<16x4x40x128xi32, #tpu.memory_space<hbm>>
      %dma_wait3A_223 = arith.constant 0 : i32
      %dma_wait3A_224 = arith.constant 0 : i32
      %dma_wait3A_225 = arith.constant 0 : i32
      %dma_wait3A_226 = tpu.memref_slice %dma_wait3A_222[%arg1, %dma_wait3A_223, %dma_wait3A_224, %dma_wait3A_225] : memref<16x4x40x128xi32, #tpu.memory_space<hbm>> -> memref<1x4x40x128xi32, #tpu.memory_space<hbm>>
      %dma_wait3A_227 = tpu.memref_squeeze %dma_wait3A_226 : memref<1x4x40x128xi32, #tpu.memory_space<hbm>> -> memref<4x40x128xi32, #tpu.memory_space<hbm>>
      %dma_wait3A_228 = arith.constant 0 : i32
      %dma_wait3A_229 = arith.constant 0 : i32
      %dma_wait3A_230 = tpu.memref_slice %dma_wait3A_227[%run_scoped3A, %dma_wait3A_228, %dma_wait3A_229] : memref<4x40x128xi32, #tpu.memory_space<hbm>> -> memref<1x40x128xi32, #tpu.memory_space<hbm>>
      %dma_wait3A_231 = tpu.memref_squeeze %dma_wait3A_230 : memref<1x40x128xi32, #tpu.memory_space<hbm>> -> memref<40x128xi32, #tpu.memory_space<hbm>>
      tpu.wait_dma2 semaphore(%run_scoped3A_173 : memref<!tpu.dma_semaphore, #tpu.memory_space<semaphore_mem>>) src(%dma_wait3A_231 : memref<40x128xi32, #tpu.memory_space<hbm>>) dst(%arg5 : memref<40x128xi32, #tpu.memory_space<vmem>>)
      tpu.yield
    }) : () -> ()
    %scan3A = arith.constant 0 : i32
    %scan3A_50 = arith.constant 0 : i32
    %scan3A_51 = arith.constant 40 : i32
    %scan3A_52 = arith.addi %scan3A_50, %scan3A_51 : i32
    %scan3A_53 = arith.constant 1 : i32
    scf.for %scan3A_173 = %scan3A_50 to %scan3A_52 step %scan3A_53  : i32 {
      "tpu.region"() ({
        %run_scoped3A_174 = tpu.sem_alloc : memref<!tpu.dma_semaphore, #tpu.memory_space<semaphore_mem>>
        %dma_start3A = arith.constant 0 : i32
        %dma_start3A_175 = tpu.memref_slice %arg5[%scan3A_173, %dma_start3A] : memref<40x128xi32, #tpu.memory_space<vmem>> -> memref<1x128xi32, #tpu.memory_space<vmem>>
        %dma_start3A_176 = tpu.memref_squeeze %dma_start3A_175 : memref<1x128xi32, #tpu.memory_space<vmem>> -> memref<128xi32, #tpu.memory_space<vmem>>
        %dma_start3A_177 = arith.constant 0 : i32
        %dma_start3A_178 = tpu.memref_slice %arg7[%dma_start3A_177] : memref<10112xf32, #tpu.memory_space<vmem_shared>> -> memref<10112xf32, #tpu.memory_space<vmem_shared>>
        tpu.enqueue_indirect_dma source(%arg6 : memref<128xf32, #tpu.memory_space<vmem>>) target(%dma_start3A_178 : memref<10112xf32, #tpu.memory_space<vmem_shared>>) offsets(%dma_start3A_176 : memref<128xi32, #tpu.memory_space<vmem>>) semaphore(%run_scoped3A_174 : memref<!tpu.dma_semaphore, #tpu.memory_space<semaphore_mem>>) {add = true}
        %dma_wait3A = arith.constant 0 : i32
        %dma_wait3A_179 = tpu.memref_slice %arg5[%scan3A_173, %dma_wait3A] : memref<40x128xi32, #tpu.memory_space<vmem>> -> memref<1x128xi32, #tpu.memory_space<vmem>>
        %dma_wait3A_180 = tpu.memref_squeeze %dma_wait3A_179 : memref<1x128xi32, #tpu.memory_space<vmem>> -> memref<128xi32, #tpu.memory_space<vmem>>
        %dma_wait3A_181 = arith.constant 0 : i32
        %dma_wait3A_182 = tpu.memref_slice %arg7[%dma_wait3A_181] : memref<10112xf32, #tpu.memory_space<vmem_shared>> -> memref<10112xf32, #tpu.memory_space<vmem_shared>>
        tpu.wait_indirect_dma semaphore(%run_scoped3A_174 : memref<!tpu.dma_semaphore, #tpu.memory_space<semaphore_mem>>) src(%arg6 : memref<128xf32, #tpu.memory_space<vmem>>) dst(%dma_wait3A_182 : memref<10112xf32, #tpu.memory_space<vmem_shared>>)
        tpu.yield
      }) : () -> ()
    }
    %scan3A_54 = arith.constant 40 : i32
    %run_scoped3A_55 = arith.constant 1 : i32
    "tpu.region"() ({
      %run_scoped3A_173 = tpu.sem_alloc : memref<!tpu.dma_semaphore, #tpu.memory_space<semaphore_mem>>
      %dma_start3A = arith.constant 0 : i32
      %dma_start3A_174 = arith.constant 0 : i32
      %dma_start3A_175 = arith.constant 0 : i32
      %dma_start3A_176 = arith.constant 0 : i32
      %dma_start3A_177 = tpu.memref_slice %arg2[%add3A_47, %dma_start3A, %dma_start3A_174, %dma_start3A_175, %dma_start3A_176] : memref<6x16x4x40x128xi32, #tpu.memory_space<hbm>> -> memref<1x16x4x40x128xi32, #tpu.memory_space<hbm>>
      %dma_start3A_178 = tpu.memref_squeeze %dma_start3A_177 : memref<1x16x4x40x128xi32, #tpu.memory_space<hbm>> -> memref<16x4x40x128xi32, #tpu.memory_space<hbm>>
      %dma_start3A_179 = arith.constant 0 : i32
      %dma_start3A_180 = arith.constant 0 : i32
      %dma_start3A_181 = arith.constant 0 : i32
      %dma_start3A_182 = tpu.memref_slice %dma_start3A_178[%arg1, %dma_start3A_179, %dma_start3A_180, %dma_start3A_181] : memref<16x4x40x128xi32, #tpu.memory_space<hbm>> -> memref<1x4x40x128xi32, #tpu.memory_space<hbm>>
      %dma_start3A_183 = tpu.memref_squeeze %dma_start3A_182 : memref<1x4x40x128xi32, #tpu.memory_space<hbm>> -> memref<4x40x128xi32, #tpu.memory_space<hbm>>
      %dma_start3A_184 = arith.constant 0 : i32
      %dma_start3A_185 = arith.constant 0 : i32
      %dma_start3A_186 = tpu.memref_slice %dma_start3A_183[%run_scoped3A_55, %dma_start3A_184, %dma_start3A_185] : memref<4x40x128xi32, #tpu.memory_space<hbm>> -> memref<1x40x128xi32, #tpu.memory_space<hbm>>
      %dma_start3A_187 = tpu.memref_squeeze %dma_start3A_186 : memref<1x40x128xi32, #tpu.memory_space<hbm>> -> memref<40x128xi32, #tpu.memory_space<hbm>>
      %dma_start3A_188 = arith.constant 0 : i32
      %dma_start3A_189 = arith.constant 0 : i32
      %dma_start3A_190 = arith.constant 0 : i32
      %dma_start3A_191 = arith.constant 0 : i32
      %dma_start3A_192 = tpu.memref_slice %arg2[%add3A_47, %dma_start3A_188, %dma_start3A_189, %dma_start3A_190, %dma_start3A_191] : memref<6x16x4x40x128xi32, #tpu.memory_space<hbm>> -> memref<1x16x4x40x128xi32, #tpu.memory_space<hbm>>
      %dma_start3A_193 = tpu.memref_squeeze %dma_start3A_192 : memref<1x16x4x40x128xi32, #tpu.memory_space<hbm>> -> memref<16x4x40x128xi32, #tpu.memory_space<hbm>>
      %dma_start3A_194 = arith.constant 0 : i32
      %dma_start3A_195 = arith.constant 0 : i32
      %dma_start3A_196 = arith.constant 0 : i32
      %dma_start3A_197 = tpu.memref_slice %dma_start3A_193[%arg1, %dma_start3A_194, %dma_start3A_195, %dma_start3A_196] : memref<16x4x40x128xi32, #tpu.memory_space<hbm>> -> memref<1x4x40x128xi32, #tpu.memory_space<hbm>>
      %dma_start3A_198 = tpu.memref_squeeze %dma_start3A_197 : memref<1x4x40x128xi32, #tpu.memory_space<hbm>> -> memref<4x40x128xi32, #tpu.memory_space<hbm>>
      %dma_start3A_199 = arith.constant 0 : i32
      %dma_start3A_200 = arith.constant 0 : i32
      %dma_start3A_201 = tpu.memref_slice %dma_start3A_198[%run_scoped3A_55, %dma_start3A_199, %dma_start3A_200] : memref<4x40x128xi32, #tpu.memory_space<hbm>> -> memref<1x40x128xi32, #tpu.memory_space<hbm>>
      %dma_start3A_202 = tpu.memref_squeeze %dma_start3A_201 : memref<1x40x128xi32, #tpu.memory_space<hbm>> -> memref<40x128xi32, #tpu.memory_space<hbm>>
      tpu.enqueue_dma source(%dma_start3A_202 : memref<40x128xi32, #tpu.memory_space<hbm>>) target(%arg5 : memref<40x128xi32, #tpu.memory_space<vmem>>) target_semaphore(%run_scoped3A_173 : memref<!tpu.dma_semaphore, #tpu.memory_space<semaphore_mem>>)
      %dma_wait3A = arith.constant 0 : i32
      %dma_wait3A_203 = arith.constant 0 : i32
      %dma_wait3A_204 = arith.constant 0 : i32
      %dma_wait3A_205 = arith.constant 0 : i32
      %dma_wait3A_206 = tpu.memref_slice %arg2[%add3A_47, %dma_wait3A, %dma_wait3A_203, %dma_wait3A_204, %dma_wait3A_205] : memref<6x16x4x40x128xi32, #tpu.memory_space<hbm>> -> memref<1x16x4x40x128xi32, #tpu.memory_space<hbm>>
      %dma_wait3A_207 = tpu.memref_squeeze %dma_wait3A_206 : memref<1x16x4x40x128xi32, #tpu.memory_space<hbm>> -> memref<16x4x40x128xi32, #tpu.memory_space<hbm>>
      %dma_wait3A_208 = arith.constant 0 : i32
      %dma_wait3A_209 = arith.constant 0 : i32
      %dma_wait3A_210 = arith.constant 0 : i32
      %dma_wait3A_211 = tpu.memref_slice %dma_wait3A_207[%arg1, %dma_wait3A_208, %dma_wait3A_209, %dma_wait3A_210] : memref<16x4x40x128xi32, #tpu.memory_space<hbm>> -> memref<1x4x40x128xi32, #tpu.memory_space<hbm>>
      %dma_wait3A_212 = tpu.memref_squeeze %dma_wait3A_211 : memref<1x4x40x128xi32, #tpu.memory_space<hbm>> -> memref<4x40x128xi32, #tpu.memory_space<hbm>>
      %dma_wait3A_213 = arith.constant 0 : i32
      %dma_wait3A_214 = arith.constant 0 : i32
      %dma_wait3A_215 = tpu.memref_slice %dma_wait3A_212[%run_scoped3A_55, %dma_wait3A_213, %dma_wait3A_214] : memref<4x40x128xi32, #tpu.memory_space<hbm>> -> memref<1x40x128xi32, #tpu.memory_space<hbm>>
      %dma_wait3A_216 = tpu.memref_squeeze %dma_wait3A_215 : memref<1x40x128xi32, #tpu.memory_space<hbm>> -> memref<40x128xi32, #tpu.memory_space<hbm>>
      %dma_wait3A_217 = arith.constant 0 : i32
      %dma_wait3A_218 = arith.constant 0 : i32
      %dma_wait3A_219 = arith.constant 0 : i32
      %dma_wait3A_220 = arith.constant 0 : i32
      %dma_wait3A_221 = tpu.memref_slice %arg2[%add3A_47, %dma_wait3A_217, %dma_wait3A_218, %dma_wait3A_219, %dma_wait3A_220] : memref<6x16x4x40x128xi32, #tpu.memory_space<hbm>> -> memref<1x16x4x40x128xi32, #tpu.memory_space<hbm>>
      %dma_wait3A_222 = tpu.memref_squeeze %dma_wait3A_221 : memref<1x16x4x40x128xi32, #tpu.memory_space<hbm>> -> memref<16x4x40x128xi32, #tpu.memory_space<hbm>>
      %dma_wait3A_223 = arith.constant 0 : i32
      %dma_wait3A_224 = arith.constant 0 : i32
      %dma_wait3A_225 = arith.constant 0 : i32
      %dma_wait3A_226 = tpu.memref_slice %dma_wait3A_222[%arg1, %dma_wait3A_223, %dma_wait3A_224, %dma_wait3A_225] : memref<16x4x40x128xi32, #tpu.memory_space<hbm>> -> memref<1x4x40x128xi32, #tpu.memory_space<hbm>>
      %dma_wait3A_227 = tpu.memref_squeeze %dma_wait3A_226 : memref<1x4x40x128xi32, #tpu.memory_space<hbm>> -> memref<4x40x128xi32, #tpu.memory_space<hbm>>
      %dma_wait3A_228 = arith.constant 0 : i32
      %dma_wait3A_229 = arith.constant 0 : i32
      %dma_wait3A_230 = tpu.memref_slice %dma_wait3A_227[%run_scoped3A_55, %dma_wait3A_228, %dma_wait3A_229] : memref<4x40x128xi32, #tpu.memory_space<hbm>> -> memref<1x40x128xi32, #tpu.memory_space<hbm>>
      %dma_wait3A_231 = tpu.memref_squeeze %dma_wait3A_230 : memref<1x40x128xi32, #tpu.memory_space<hbm>> -> memref<40x128xi32, #tpu.memory_space<hbm>>
      tpu.wait_dma2 semaphore(%run_scoped3A_173 : memref<!tpu.dma_semaphore, #tpu.memory_space<semaphore_mem>>) src(%dma_wait3A_231 : memref<40x128xi32, #tpu.memory_space<hbm>>) dst(%arg5 : memref<40x128xi32, #tpu.memory_space<vmem>>)
      tpu.yield
    }) : () -> ()
    %scan3A_56 = arith.constant 0 : i32
    %scan3A_57 = arith.constant 0 : i32
    %scan3A_58 = arith.constant 40 : i32
    %scan3A_59 = arith.addi %scan3A_57, %scan3A_58 : i32
    %scan3A_60 = arith.constant 1 : i32
    scf.for %scan3A_173 = %scan3A_57 to %scan3A_59 step %scan3A_60  : i32 {
      "tpu.region"() ({
        %run_scoped3A_174 = tpu.sem_alloc : memref<!tpu.dma_semaphore, #tpu.memory_space<semaphore_mem>>
        %dma_start3A = arith.constant 0 : i32
        %dma_start3A_175 = tpu.memref_slice %arg5[%scan3A_173, %dma_start3A] : memref<40x128xi32, #tpu.memory_space<vmem>> -> memref<1x128xi32, #tpu.memory_space<vmem>>
        %dma_start3A_176 = tpu.memref_squeeze %dma_start3A_175 : memref<1x128xi32, #tpu.memory_space<vmem>> -> memref<128xi32, #tpu.memory_space<vmem>>
        %dma_start3A_177 = arith.constant 0 : i32
        %dma_start3A_178 = tpu.memref_slice %arg7[%dma_start3A_177] : memref<10112xf32, #tpu.memory_space<vmem_shared>> -> memref<10112xf32, #tpu.memory_space<vmem_shared>>
        tpu.enqueue_indirect_dma source(%arg6 : memref<128xf32, #tpu.memory_space<vmem>>) target(%dma_start3A_178 : memref<10112xf32, #tpu.memory_space<vmem_shared>>) offsets(%dma_start3A_176 : memref<128xi32, #tpu.memory_space<vmem>>) semaphore(%run_scoped3A_174 : memref<!tpu.dma_semaphore, #tpu.memory_space<semaphore_mem>>) {add = true}
        %dma_wait3A = arith.constant 0 : i32
        %dma_wait3A_179 = tpu.memref_slice %arg5[%scan3A_173, %dma_wait3A] : memref<40x128xi32, #tpu.memory_space<vmem>> -> memref<1x128xi32, #tpu.memory_space<vmem>>
        %dma_wait3A_180 = tpu.memref_squeeze %dma_wait3A_179 : memref<1x128xi32, #tpu.memory_space<vmem>> -> memref<128xi32, #tpu.memory_space<vmem>>
        %dma_wait3A_181 = arith.constant 0 : i32
        %dma_wait3A_182 = tpu.memref_slice %arg7[%dma_wait3A_181] : memref<10112xf32, #tpu.memory_space<vmem_shared>> -> memref<10112xf32, #tpu.memory_space<vmem_shared>>
        tpu.wait_indirect_dma semaphore(%run_scoped3A_174 : memref<!tpu.dma_semaphore, #tpu.memory_space<semaphore_mem>>) src(%arg6 : memref<128xf32, #tpu.memory_space<vmem>>) dst(%dma_wait3A_182 : memref<10112xf32, #tpu.memory_space<vmem_shared>>)
        tpu.yield
      }) : () -> ()
    }
    %scan3A_61 = arith.constant 40 : i32
    %run_scoped3A_62 = arith.constant 2 : i32
    "tpu.region"() ({
      %run_scoped3A_173 = tpu.sem_alloc : memref<!tpu.dma_semaphore, #tpu.memory_space<semaphore_mem>>
      %dma_start3A = arith.constant 0 : i32
      %dma_start3A_174 = arith.constant 0 : i32
      %dma_start3A_175 = arith.constant 0 : i32
      %dma_start3A_176 = arith.constant 0 : i32
      %dma_start3A_177 = tpu.memref_slice %arg2[%add3A_47, %dma_start3A, %dma_start3A_174, %dma_start3A_175, %dma_start3A_176] : memref<6x16x4x40x128xi32, #tpu.memory_space<hbm>> -> memref<1x16x4x40x128xi32, #tpu.memory_space<hbm>>
      %dma_start3A_178 = tpu.memref_squeeze %dma_start3A_177 : memref<1x16x4x40x128xi32, #tpu.memory_space<hbm>> -> memref<16x4x40x128xi32, #tpu.memory_space<hbm>>
      %dma_start3A_179 = arith.constant 0 : i32
      %dma_start3A_180 = arith.constant 0 : i32
      %dma_start3A_181 = arith.constant 0 : i32
      %dma_start3A_182 = tpu.memref_slice %dma_start3A_178[%arg1, %dma_start3A_179, %dma_start3A_180, %dma_start3A_181] : memref<16x4x40x128xi32, #tpu.memory_space<hbm>> -> memref<1x4x40x128xi32, #tpu.memory_space<hbm>>
      %dma_start3A_183 = tpu.memref_squeeze %dma_start3A_182 : memref<1x4x40x128xi32, #tpu.memory_space<hbm>> -> memref<4x40x128xi32, #tpu.memory_space<hbm>>
      %dma_start3A_184 = arith.constant 0 : i32
      %dma_start3A_185 = arith.constant 0 : i32
      %dma_start3A_186 = tpu.memref_slice %dma_start3A_183[%run_scoped3A_62, %dma_start3A_184, %dma_start3A_185] : memref<4x40x128xi32, #tpu.memory_space<hbm>> -> memref<1x40x128xi32, #tpu.memory_space<hbm>>
      %dma_start3A_187 = tpu.memref_squeeze %dma_start3A_186 : memref<1x40x128xi32, #tpu.memory_space<hbm>> -> memref<40x128xi32, #tpu.memory_space<hbm>>
      %dma_start3A_188 = arith.constant 0 : i32
      %dma_start3A_189 = arith.constant 0 : i32
      %dma_start3A_190 = arith.constant 0 : i32
      %dma_start3A_191 = arith.constant 0 : i32
      %dma_start3A_192 = tpu.memref_slice %arg2[%add3A_47, %dma_start3A_188, %dma_start3A_189, %dma_start3A_190, %dma_start3A_191] : memref<6x16x4x40x128xi32, #tpu.memory_space<hbm>> -> memref<1x16x4x40x128xi32, #tpu.memory_space<hbm>>
      %dma_start3A_193 = tpu.memref_squeeze %dma_start3A_192 : memref<1x16x4x40x128xi32, #tpu.memory_space<hbm>> -> memref<16x4x40x128xi32, #tpu.memory_space<hbm>>
      %dma_start3A_194 = arith.constant 0 : i32
      %dma_start3A_195 = arith.constant 0 : i32
      %dma_start3A_196 = arith.constant 0 : i32
      %dma_start3A_197 = tpu.memref_slice %dma_start3A_193[%arg1, %dma_start3A_194, %dma_start3A_195, %dma_start3A_196] : memref<16x4x40x128xi32, #tpu.memory_space<hbm>> -> memref<1x4x40x128xi32, #tpu.memory_space<hbm>>
      %dma_start3A_198 = tpu.memref_squeeze %dma_start3A_197 : memref<1x4x40x128xi32, #tpu.memory_space<hbm>> -> memref<4x40x128xi32, #tpu.memory_space<hbm>>
      %dma_start3A_199 = arith.constant 0 : i32
      %dma_start3A_200 = arith.constant 0 : i32
      %dma_start3A_201 = tpu.memref_slice %dma_start3A_198[%run_scoped3A_62, %dma_start3A_199, %dma_start3A_200] : memref<4x40x128xi32, #tpu.memory_space<hbm>> -> memref<1x40x128xi32, #tpu.memory_space<hbm>>
      %dma_start3A_202 = tpu.memref_squeeze %dma_start3A_201 : memref<1x40x128xi32, #tpu.memory_space<hbm>> -> memref<40x128xi32, #tpu.memory_space<hbm>>
      tpu.enqueue_dma source(%dma_start3A_202 : memref<40x128xi32, #tpu.memory_space<hbm>>) target(%arg5 : memref<40x128xi32, #tpu.memory_space<vmem>>) target_semaphore(%run_scoped3A_173 : memref<!tpu.dma_semaphore, #tpu.memory_space<semaphore_mem>>)
      %dma_wait3A = arith.constant 0 : i32
      %dma_wait3A_203 = arith.constant 0 : i32
      %dma_wait3A_204 = arith.constant 0 : i32
      %dma_wait3A_205 = arith.constant 0 : i32
      %dma_wait3A_206 = tpu.memref_slice %arg2[%add3A_47, %dma_wait3A, %dma_wait3A_203, %dma_wait3A_204, %dma_wait3A_205] : memref<6x16x4x40x128xi32, #tpu.memory_space<hbm>> -> memref<1x16x4x40x128xi32, #tpu.memory_space<hbm>>
      %dma_wait3A_207 = tpu.memref_squeeze %dma_wait3A_206 : memref<1x16x4x40x128xi32, #tpu.memory_space<hbm>> -> memref<16x4x40x128xi32, #tpu.memory_space<hbm>>
      %dma_wait3A_208 = arith.constant 0 : i32
      %dma_wait3A_209 = arith.constant 0 : i32
      %dma_wait3A_210 = arith.constant 0 : i32
      %dma_wait3A_211 = tpu.memref_slice %dma_wait3A_207[%arg1, %dma_wait3A_208, %dma_wait3A_209, %dma_wait3A_210] : memref<16x4x40x128xi32, #tpu.memory_space<hbm>> -> memref<1x4x40x128xi32, #tpu.memory_space<hbm>>
      %dma_wait3A_212 = tpu.memref_squeeze %dma_wait3A_211 : memref<1x4x40x128xi32, #tpu.memory_space<hbm>> -> memref<4x40x128xi32, #tpu.memory_space<hbm>>
      %dma_wait3A_213 = arith.constant 0 : i32
      %dma_wait3A_214 = arith.constant 0 : i32
      %dma_wait3A_215 = tpu.memref_slice %dma_wait3A_212[%run_scoped3A_62, %dma_wait3A_213, %dma_wait3A_214] : memref<4x40x128xi32, #tpu.memory_space<hbm>> -> memref<1x40x128xi32, #tpu.memory_space<hbm>>
      %dma_wait3A_216 = tpu.memref_squeeze %dma_wait3A_215 : memref<1x40x128xi32, #tpu.memory_space<hbm>> -> memref<40x128xi32, #tpu.memory_space<hbm>>
      %dma_wait3A_217 = arith.constant 0 : i32
      %dma_wait3A_218 = arith.constant 0 : i32
      %dma_wait3A_219 = arith.constant 0 : i32
      %dma_wait3A_220 = arith.constant 0 : i32
      %dma_wait3A_221 = tpu.memref_slice %arg2[%add3A_47, %dma_wait3A_217, %dma_wait3A_218, %dma_wait3A_219, %dma_wait3A_220] : memref<6x16x4x40x128xi32, #tpu.memory_space<hbm>> -> memref<1x16x4x40x128xi32, #tpu.memory_space<hbm>>
      %dma_wait3A_222 = tpu.memref_squeeze %dma_wait3A_221 : memref<1x16x4x40x128xi32, #tpu.memory_space<hbm>> -> memref<16x4x40x128xi32, #tpu.memory_space<hbm>>
      %dma_wait3A_223 = arith.constant 0 : i32
      %dma_wait3A_224 = arith.constant 0 : i32
      %dma_wait3A_225 = arith.constant 0 : i32
      %dma_wait3A_226 = tpu.memref_slice %dma_wait3A_222[%arg1, %dma_wait3A_223, %dma_wait3A_224, %dma_wait3A_225] : memref<16x4x40x128xi32, #tpu.memory_space<hbm>> -> memref<1x4x40x128xi32, #tpu.memory_space<hbm>>
      %dma_wait3A_227 = tpu.memref_squeeze %dma_wait3A_226 : memref<1x4x40x128xi32, #tpu.memory_space<hbm>> -> memref<4x40x128xi32, #tpu.memory_space<hbm>>
      %dma_wait3A_228 = arith.constant 0 : i32
      %dma_wait3A_229 = arith.constant 0 : i32
      %dma_wait3A_230 = tpu.memref_slice %dma_wait3A_227[%run_scoped3A_62, %dma_wait3A_228, %dma_wait3A_229] : memref<4x40x128xi32, #tpu.memory_space<hbm>> -> memref<1x40x128xi32, #tpu.memory_space<hbm>>
      %dma_wait3A_231 = tpu.memref_squeeze %dma_wait3A_230 : memref<1x40x128xi32, #tpu.memory_space<hbm>> -> memref<40x128xi32, #tpu.memory_space<hbm>>
      tpu.wait_dma2 semaphore(%run_scoped3A_173 : memref<!tpu.dma_semaphore, #tpu.memory_space<semaphore_mem>>) src(%dma_wait3A_231 : memref<40x128xi32, #tpu.memory_space<hbm>>) dst(%arg5 : memref<40x128xi32, #tpu.memory_space<vmem>>)
      tpu.yield
    }) : () -> ()
    %scan3A_63 = arith.constant 0 : i32
    %scan3A_64 = arith.constant 0 : i32
    %scan3A_65 = arith.constant 40 : i32
    %scan3A_66 = arith.addi %scan3A_64, %scan3A_65 : i32
    %scan3A_67 = arith.constant 1 : i32
    scf.for %scan3A_173 = %scan3A_64 to %scan3A_66 step %scan3A_67  : i32 {
      "tpu.region"() ({
        %run_scoped3A_174 = tpu.sem_alloc : memref<!tpu.dma_semaphore, #tpu.memory_space<semaphore_mem>>
        %dma_start3A = arith.constant 0 : i32
        %dma_start3A_175 = tpu.memref_slice %arg5[%scan3A_173, %dma_start3A] : memref<40x128xi32, #tpu.memory_space<vmem>> -> memref<1x128xi32, #tpu.memory_space<vmem>>
        %dma_start3A_176 = tpu.memref_squeeze %dma_start3A_175 : memref<1x128xi32, #tpu.memory_space<vmem>> -> memref<128xi32, #tpu.memory_space<vmem>>
        %dma_start3A_177 = arith.constant 0 : i32
        %dma_start3A_178 = tpu.memref_slice %arg7[%dma_start3A_177] : memref<10112xf32, #tpu.memory_space<vmem_shared>> -> memref<10112xf32, #tpu.memory_space<vmem_shared>>
        tpu.enqueue_indirect_dma source(%arg6 : memref<128xf32, #tpu.memory_space<vmem>>) target(%dma_start3A_178 : memref<10112xf32, #tpu.memory_space<vmem_shared>>) offsets(%dma_start3A_176 : memref<128xi32, #tpu.memory_space<vmem>>) semaphore(%run_scoped3A_174 : memref<!tpu.dma_semaphore, #tpu.memory_space<semaphore_mem>>) {add = true}
        %dma_wait3A = arith.constant 0 : i32
        %dma_wait3A_179 = tpu.memref_slice %arg5[%scan3A_173, %dma_wait3A] : memref<40x128xi32, #tpu.memory_space<vmem>> -> memref<1x128xi32, #tpu.memory_space<vmem>>
        %dma_wait3A_180 = tpu.memref_squeeze %dma_wait3A_179 : memref<1x128xi32, #tpu.memory_space<vmem>> -> memref<128xi32, #tpu.memory_space<vmem>>
        %dma_wait3A_181 = arith.constant 0 : i32
        %dma_wait3A_182 = tpu.memref_slice %arg7[%dma_wait3A_181] : memref<10112xf32, #tpu.memory_space<vmem_shared>> -> memref<10112xf32, #tpu.memory_space<vmem_shared>>
        tpu.wait_indirect_dma semaphore(%run_scoped3A_174 : memref<!tpu.dma_semaphore, #tpu.memory_space<semaphore_mem>>) src(%arg6 : memref<128xf32, #tpu.memory_space<vmem>>) dst(%dma_wait3A_182 : memref<10112xf32, #tpu.memory_space<vmem_shared>>)
        tpu.yield
      }) : () -> ()
    }
    %scan3A_68 = arith.constant 40 : i32
    %run_scoped3A_69 = arith.constant 3 : i32
    "tpu.region"() ({
      %run_scoped3A_173 = tpu.sem_alloc : memref<!tpu.dma_semaphore, #tpu.memory_space<semaphore_mem>>
      %dma_start3A = arith.constant 0 : i32
      %dma_start3A_174 = arith.constant 0 : i32
      %dma_start3A_175 = arith.constant 0 : i32
      %dma_start3A_176 = arith.constant 0 : i32
      %dma_start3A_177 = tpu.memref_slice %arg2[%add3A_47, %dma_start3A, %dma_start3A_174, %dma_start3A_175, %dma_start3A_176] : memref<6x16x4x40x128xi32, #tpu.memory_space<hbm>> -> memref<1x16x4x40x128xi32, #tpu.memory_space<hbm>>
      %dma_start3A_178 = tpu.memref_squeeze %dma_start3A_177 : memref<1x16x4x40x128xi32, #tpu.memory_space<hbm>> -> memref<16x4x40x128xi32, #tpu.memory_space<hbm>>
      %dma_start3A_179 = arith.constant 0 : i32
      %dma_start3A_180 = arith.constant 0 : i32
      %dma_start3A_181 = arith.constant 0 : i32
      %dma_start3A_182 = tpu.memref_slice %dma_start3A_178[%arg1, %dma_start3A_179, %dma_start3A_180, %dma_start3A_181] : memref<16x4x40x128xi32, #tpu.memory_space<hbm>> -> memref<1x4x40x128xi32, #tpu.memory_space<hbm>>
      %dma_start3A_183 = tpu.memref_squeeze %dma_start3A_182 : memref<1x4x40x128xi32, #tpu.memory_space<hbm>> -> memref<4x40x128xi32, #tpu.memory_space<hbm>>
      %dma_start3A_184 = arith.constant 0 : i32
      %dma_start3A_185 = arith.constant 0 : i32
      %dma_start3A_186 = tpu.memref_slice %dma_start3A_183[%run_scoped3A_69, %dma_start3A_184, %dma_start3A_185] : memref<4x40x128xi32, #tpu.memory_space<hbm>> -> memref<1x40x128xi32, #tpu.memory_space<hbm>>
      %dma_start3A_187 = tpu.memref_squeeze %dma_start3A_186 : memref<1x40x128xi32, #tpu.memory_space<hbm>> -> memref<40x128xi32, #tpu.memory_space<hbm>>
      %dma_start3A_188 = arith.constant 0 : i32
      %dma_start3A_189 = arith.constant 0 : i32
      %dma_start3A_190 = arith.constant 0 : i32
      %dma_start3A_191 = arith.constant 0 : i32
      %dma_start3A_192 = tpu.memref_slice %arg2[%add3A_47, %dma_start3A_188, %dma_start3A_189, %dma_start3A_190, %dma_start3A_191] : memref<6x16x4x40x128xi32, #tpu.memory_space<hbm>> -> memref<1x16x4x40x128xi32, #tpu.memory_space<hbm>>
      %dma_start3A_193 = tpu.memref_squeeze %dma_start3A_192 : memref<1x16x4x40x128xi32, #tpu.memory_space<hbm>> -> memref<16x4x40x128xi32, #tpu.memory_space<hbm>>
      %dma_start3A_194 = arith.constant 0 : i32
      %dma_start3A_195 = arith.constant 0 : i32
      %dma_start3A_196 = arith.constant 0 : i32
      %dma_start3A_197 = tpu.memref_slice %dma_start3A_193[%arg1, %dma_start3A_194, %dma_start3A_195, %dma_start3A_196] : memref<16x4x40x128xi32, #tpu.memory_space<hbm>> -> memref<1x4x40x128xi32, #tpu.memory_space<hbm>>
      %dma_start3A_198 = tpu.memref_squeeze %dma_start3A_197 : memref<1x4x40x128xi32, #tpu.memory_space<hbm>> -> memref<4x40x128xi32, #tpu.memory_space<hbm>>
      %dma_start3A_199 = arith.constant 0 : i32
      %dma_start3A_200 = arith.constant 0 : i32
      %dma_start3A_201 = tpu.memref_slice %dma_start3A_198[%run_scoped3A_69, %dma_start3A_199, %dma_start3A_200] : memref<4x40x128xi32, #tpu.memory_space<hbm>> -> memref<1x40x128xi32, #tpu.memory_space<hbm>>
      %dma_start3A_202 = tpu.memref_squeeze %dma_start3A_201 : memref<1x40x128xi32, #tpu.memory_space<hbm>> -> memref<40x128xi32, #tpu.memory_space<hbm>>
      tpu.enqueue_dma source(%dma_start3A_202 : memref<40x128xi32, #tpu.memory_space<hbm>>) target(%arg5 : memref<40x128xi32, #tpu.memory_space<vmem>>) target_semaphore(%run_scoped3A_173 : memref<!tpu.dma_semaphore, #tpu.memory_space<semaphore_mem>>)
      %dma_wait3A = arith.constant 0 : i32
      %dma_wait3A_203 = arith.constant 0 : i32
      %dma_wait3A_204 = arith.constant 0 : i32
      %dma_wait3A_205 = arith.constant 0 : i32
      %dma_wait3A_206 = tpu.memref_slice %arg2[%add3A_47, %dma_wait3A, %dma_wait3A_203, %dma_wait3A_204, %dma_wait3A_205] : memref<6x16x4x40x128xi32, #tpu.memory_space<hbm>> -> memref<1x16x4x40x128xi32, #tpu.memory_space<hbm>>
      %dma_wait3A_207 = tpu.memref_squeeze %dma_wait3A_206 : memref<1x16x4x40x128xi32, #tpu.memory_space<hbm>> -> memref<16x4x40x128xi32, #tpu.memory_space<hbm>>
      %dma_wait3A_208 = arith.constant 0 : i32
      %dma_wait3A_209 = arith.constant 0 : i32
      %dma_wait3A_210 = arith.constant 0 : i32
      %dma_wait3A_211 = tpu.memref_slice %dma_wait3A_207[%arg1, %dma_wait3A_208, %dma_wait3A_209, %dma_wait3A_210] : memref<16x4x40x128xi32, #tpu.memory_space<hbm>> -> memref<1x4x40x128xi32, #tpu.memory_space<hbm>>
      %dma_wait3A_212 = tpu.memref_squeeze %dma_wait3A_211 : memref<1x4x40x128xi32, #tpu.memory_space<hbm>> -> memref<4x40x128xi32, #tpu.memory_space<hbm>>
      %dma_wait3A_213 = arith.constant 0 : i32
      %dma_wait3A_214 = arith.constant 0 : i32
      %dma_wait3A_215 = tpu.memref_slice %dma_wait3A_212[%run_scoped3A_69, %dma_wait3A_213, %dma_wait3A_214] : memref<4x40x128xi32, #tpu.memory_space<hbm>> -> memref<1x40x128xi32, #tpu.memory_space<hbm>>
      %dma_wait3A_216 = tpu.memref_squeeze %dma_wait3A_215 : memref<1x40x128xi32, #tpu.memory_space<hbm>> -> memref<40x128xi32, #tpu.memory_space<hbm>>
      %dma_wait3A_217 = arith.constant 0 : i32
      %dma_wait3A_218 = arith.constant 0 : i32
      %dma_wait3A_219 = arith.constant 0 : i32
      %dma_wait3A_220 = arith.constant 0 : i32
      %dma_wait3A_221 = tpu.memref_slice %arg2[%add3A_47, %dma_wait3A_217, %dma_wait3A_218, %dma_wait3A_219, %dma_wait3A_220] : memref<6x16x4x40x128xi32, #tpu.memory_space<hbm>> -> memref<1x16x4x40x128xi32, #tpu.memory_space<hbm>>
      %dma_wait3A_222 = tpu.memref_squeeze %dma_wait3A_221 : memref<1x16x4x40x128xi32, #tpu.memory_space<hbm>> -> memref<16x4x40x128xi32, #tpu.memory_space<hbm>>
      %dma_wait3A_223 = arith.constant 0 : i32
      %dma_wait3A_224 = arith.constant 0 : i32
      %dma_wait3A_225 = arith.constant 0 : i32
      %dma_wait3A_226 = tpu.memref_slice %dma_wait3A_222[%arg1, %dma_wait3A_223, %dma_wait3A_224, %dma_wait3A_225] : memref<16x4x40x128xi32, #tpu.memory_space<hbm>> -> memref<1x4x40x128xi32, #tpu.memory_space<hbm>>
      %dma_wait3A_227 = tpu.memref_squeeze %dma_wait3A_226 : memref<1x4x40x128xi32, #tpu.memory_space<hbm>> -> memref<4x40x128xi32, #tpu.memory_space<hbm>>
      %dma_wait3A_228 = arith.constant 0 : i32
      %dma_wait3A_229 = arith.constant 0 : i32
      %dma_wait3A_230 = tpu.memref_slice %dma_wait3A_227[%run_scoped3A_69, %dma_wait3A_228, %dma_wait3A_229] : memref<4x40x128xi32, #tpu.memory_space<hbm>> -> memref<1x40x128xi32, #tpu.memory_space<hbm>>
      %dma_wait3A_231 = tpu.memref_squeeze %dma_wait3A_230 : memref<1x40x128xi32, #tpu.memory_space<hbm>> -> memref<40x128xi32, #tpu.memory_space<hbm>>
      tpu.wait_dma2 semaphore(%run_scoped3A_173 : memref<!tpu.dma_semaphore, #tpu.memory_space<semaphore_mem>>) src(%dma_wait3A_231 : memref<40x128xi32, #tpu.memory_space<hbm>>) dst(%arg5 : memref<40x128xi32, #tpu.memory_space<vmem>>)
      tpu.yield
    }) : () -> ()
    %scan3A_70 = arith.constant 0 : i32
    %scan3A_71 = arith.constant 0 : i32
    %scan3A_72 = arith.constant 40 : i32
    %scan3A_73 = arith.addi %scan3A_71, %scan3A_72 : i32
    %scan3A_74 = arith.constant 1 : i32
    scf.for %scan3A_173 = %scan3A_71 to %scan3A_73 step %scan3A_74  : i32 {
      "tpu.region"() ({
        %run_scoped3A_174 = tpu.sem_alloc : memref<!tpu.dma_semaphore, #tpu.memory_space<semaphore_mem>>
        %dma_start3A = arith.constant 0 : i32
        %dma_start3A_175 = tpu.memref_slice %arg5[%scan3A_173, %dma_start3A] : memref<40x128xi32, #tpu.memory_space<vmem>> -> memref<1x128xi32, #tpu.memory_space<vmem>>
        %dma_start3A_176 = tpu.memref_squeeze %dma_start3A_175 : memref<1x128xi32, #tpu.memory_space<vmem>> -> memref<128xi32, #tpu.memory_space<vmem>>
        %dma_start3A_177 = arith.constant 0 : i32
        %dma_start3A_178 = tpu.memref_slice %arg7[%dma_start3A_177] : memref<10112xf32, #tpu.memory_space<vmem_shared>> -> memref<10112xf32, #tpu.memory_space<vmem_shared>>
        tpu.enqueue_indirect_dma source(%arg6 : memref<128xf32, #tpu.memory_space<vmem>>) target(%dma_start3A_178 : memref<10112xf32, #tpu.memory_space<vmem_shared>>) offsets(%dma_start3A_176 : memref<128xi32, #tpu.memory_space<vmem>>) semaphore(%run_scoped3A_174 : memref<!tpu.dma_semaphore, #tpu.memory_space<semaphore_mem>>) {add = true}
        %dma_wait3A = arith.constant 0 : i32
        %dma_wait3A_179 = tpu.memref_slice %arg5[%scan3A_173, %dma_wait3A] : memref<40x128xi32, #tpu.memory_space<vmem>> -> memref<1x128xi32, #tpu.memory_space<vmem>>
        %dma_wait3A_180 = tpu.memref_squeeze %dma_wait3A_179 : memref<1x128xi32, #tpu.memory_space<vmem>> -> memref<128xi32, #tpu.memory_space<vmem>>
        %dma_wait3A_181 = arith.constant 0 : i32
        %dma_wait3A_182 = tpu.memref_slice %arg7[%dma_wait3A_181] : memref<10112xf32, #tpu.memory_space<vmem_shared>> -> memref<10112xf32, #tpu.memory_space<vmem_shared>>
        tpu.wait_indirect_dma semaphore(%run_scoped3A_174 : memref<!tpu.dma_semaphore, #tpu.memory_space<semaphore_mem>>) src(%arg6 : memref<128xf32, #tpu.memory_space<vmem>>) dst(%dma_wait3A_182 : memref<10112xf32, #tpu.memory_space<vmem_shared>>)
        tpu.yield
      }) : () -> ()
    }
    %scan3A_75 = arith.constant 40 : i32
    %barrier3A_76 = arith.constant 0 : index
    tpu.barrier barrier_id(%barrier3A_76)
    %eq3A_77 = arith.constant 0 : i32
    %eq3A_78 = arith.cmpi eq, %arg1, %eq3A_77 : i32
    %convert_element_type3A_79 = arith.extui %eq3A_78 : i1 to i32
    %cond3A_80 = arith.constant 0 : i32
    %cond3A_81 = arith.cmpi ne, %convert_element_type3A_79, %cond3A_80 : i32
    scf.if %cond3A_81 {
      "tpu.region"() ({
        %run_scoped3A_173 = tpu.sem_alloc : memref<!tpu.dma_semaphore, #tpu.memory_space<semaphore_mem>>
        %dma_start3A = arith.constant 0 : i32
        %dma_start3A_174 = tpu.memref_slice %arg4[%add3A_47, %dma_start3A] : memref<6x10112xf32, #tpu.memory_space<hbm>> -> memref<1x10112xf32, #tpu.memory_space<hbm>>
        %dma_start3A_175 = tpu.memref_squeeze %dma_start3A_174 : memref<1x10112xf32, #tpu.memory_space<hbm>> -> memref<10112xf32, #tpu.memory_space<hbm>>
        tpu.enqueue_dma source(%arg7 : memref<10112xf32, #tpu.memory_space<vmem_shared>>) target(%dma_start3A_175 : memref<10112xf32, #tpu.memory_space<hbm>>) target_semaphore(%run_scoped3A_173 : memref<!tpu.dma_semaphore, #tpu.memory_space<semaphore_mem>>)
        %dma_wait3A = arith.constant 0 : i32
        %dma_wait3A_176 = tpu.memref_slice %arg4[%add3A_47, %dma_wait3A] : memref<6x10112xf32, #tpu.memory_space<hbm>> -> memref<1x10112xf32, #tpu.memory_space<hbm>>
        %dma_wait3A_177 = tpu.memref_squeeze %dma_wait3A_176 : memref<1x10112xf32, #tpu.memory_space<hbm>> -> memref<10112xf32, #tpu.memory_space<hbm>>
        tpu.wait_dma2 semaphore(%run_scoped3A_173 : memref<!tpu.dma_semaphore, #tpu.memory_space<semaphore_mem>>) src(%arg7 : memref<10112xf32, #tpu.memory_space<vmem_shared>>) dst(%dma_wait3A_177 : memref<10112xf32, #tpu.memory_space<hbm>>)
        tpu.yield
      }) : () -> ()
    } else {
    }
    %barrier3A_82 = arith.constant 0 : index
    tpu.barrier barrier_id(%barrier3A_82)
    %mul3A_83 = arith.constant 3 : i32
    %mul3A_84 = arith.muli %arg0, %mul3A_83 : i32
    %add3A_85 = arith.constant 1 : i32
    %add3A_86 = arith.addi %mul3A_84, %add3A_85 : i32
    %eq3A_87 = arith.constant 0 : i32
    %eq3A_88 = arith.cmpi eq, %arg1, %eq3A_87 : i32
    %convert_element_type3A_89 = arith.extui %eq3A_88 : i1 to i32
    %cond3A_90 = arith.constant 0 : i32
    %cond3A_91 = arith.cmpi ne, %convert_element_type3A_89, %cond3A_90 : i32
    scf.if %cond3A_91 {
      "tpu.region"() ({
        %run_scoped3A_173 = tpu.sem_alloc : memref<!tpu.dma_semaphore, #tpu.memory_space<semaphore_mem>>
        tpu.enqueue_dma source(%arg3 : memref<10112xf32, #tpu.memory_space<hbm>>) target(%arg7 : memref<10112xf32, #tpu.memory_space<vmem_shared>>) target_semaphore(%run_scoped3A_173 : memref<!tpu.dma_semaphore, #tpu.memory_space<semaphore_mem>>)
        tpu.wait_dma2 semaphore(%run_scoped3A_173 : memref<!tpu.dma_semaphore, #tpu.memory_space<semaphore_mem>>) src(%arg3 : memref<10112xf32, #tpu.memory_space<hbm>>) dst(%arg7 : memref<10112xf32, #tpu.memory_space<vmem_shared>>)
        tpu.yield
      }) : () -> ()
    } else {
    }
    %barrier3A_92 = arith.constant 0 : index
    tpu.barrier barrier_id(%barrier3A_92)
    %run_scoped3A_93 = arith.constant 0 : i32
    "tpu.region"() ({
      %run_scoped3A_173 = tpu.sem_alloc : memref<!tpu.dma_semaphore, #tpu.memory_space<semaphore_mem>>
      %dma_start3A = arith.constant 0 : i32
      %dma_start3A_174 = arith.constant 0 : i32
      %dma_start3A_175 = arith.constant 0 : i32
      %dma_start3A_176 = arith.constant 0 : i32
      %dma_start3A_177 = tpu.memref_slice %arg2[%add3A_86, %dma_start3A, %dma_start3A_174, %dma_start3A_175, %dma_start3A_176] : memref<6x16x4x40x128xi32, #tpu.memory_space<hbm>> -> memref<1x16x4x40x128xi32, #tpu.memory_space<hbm>>
      %dma_start3A_178 = tpu.memref_squeeze %dma_start3A_177 : memref<1x16x4x40x128xi32, #tpu.memory_space<hbm>> -> memref<16x4x40x128xi32, #tpu.memory_space<hbm>>
      %dma_start3A_179 = arith.constant 0 : i32
      %dma_start3A_180 = arith.constant 0 : i32
      %dma_start3A_181 = arith.constant 0 : i32
      %dma_start3A_182 = tpu.memref_slice %dma_start3A_178[%arg1, %dma_start3A_179, %dma_start3A_180, %dma_start3A_181] : memref<16x4x40x128xi32, #tpu.memory_space<hbm>> -> memref<1x4x40x128xi32, #tpu.memory_space<hbm>>
      %dma_start3A_183 = tpu.memref_squeeze %dma_start3A_182 : memref<1x4x40x128xi32, #tpu.memory_space<hbm>> -> memref<4x40x128xi32, #tpu.memory_space<hbm>>
      %dma_start3A_184 = arith.constant 0 : i32
      %dma_start3A_185 = arith.constant 0 : i32
      %dma_start3A_186 = tpu.memref_slice %dma_start3A_183[%run_scoped3A_93, %dma_start3A_184, %dma_start3A_185] : memref<4x40x128xi32, #tpu.memory_space<hbm>> -> memref<1x40x128xi32, #tpu.memory_space<hbm>>
      %dma_start3A_187 = tpu.memref_squeeze %dma_start3A_186 : memref<1x40x128xi32, #tpu.memory_space<hbm>> -> memref<40x128xi32, #tpu.memory_space<hbm>>
      %dma_start3A_188 = arith.constant 0 : i32
      %dma_start3A_189 = arith.constant 0 : i32
      %dma_start3A_190 = arith.constant 0 : i32
      %dma_start3A_191 = arith.constant 0 : i32
      %dma_start3A_192 = tpu.memref_slice %arg2[%add3A_86, %dma_start3A_188, %dma_start3A_189, %dma_start3A_190, %dma_start3A_191] : memref<6x16x4x40x128xi32, #tpu.memory_space<hbm>> -> memref<1x16x4x40x128xi32, #tpu.memory_space<hbm>>
      %dma_start3A_193 = tpu.memref_squeeze %dma_start3A_192 : memref<1x16x4x40x128xi32, #tpu.memory_space<hbm>> -> memref<16x4x40x128xi32, #tpu.memory_space<hbm>>
      %dma_start3A_194 = arith.constant 0 : i32
      %dma_start3A_195 = arith.constant 0 : i32
      %dma_start3A_196 = arith.constant 0 : i32
      %dma_start3A_197 = tpu.memref_slice %dma_start3A_193[%arg1, %dma_start3A_194, %dma_start3A_195, %dma_start3A_196] : memref<16x4x40x128xi32, #tpu.memory_space<hbm>> -> memref<1x4x40x128xi32, #tpu.memory_space<hbm>>
      %dma_start3A_198 = tpu.memref_squeeze %dma_start3A_197 : memref<1x4x40x128xi32, #tpu.memory_space<hbm>> -> memref<4x40x128xi32, #tpu.memory_space<hbm>>
      %dma_start3A_199 = arith.constant 0 : i32
      %dma_start3A_200 = arith.constant 0 : i32
      %dma_start3A_201 = tpu.memref_slice %dma_start3A_198[%run_scoped3A_93, %dma_start3A_199, %dma_start3A_200] : memref<4x40x128xi32, #tpu.memory_space<hbm>> -> memref<1x40x128xi32, #tpu.memory_space<hbm>>
      %dma_start3A_202 = tpu.memref_squeeze %dma_start3A_201 : memref<1x40x128xi32, #tpu.memory_space<hbm>> -> memref<40x128xi32, #tpu.memory_space<hbm>>
      tpu.enqueue_dma source(%dma_start3A_202 : memref<40x128xi32, #tpu.memory_space<hbm>>) target(%arg5 : memref<40x128xi32, #tpu.memory_space<vmem>>) target_semaphore(%run_scoped3A_173 : memref<!tpu.dma_semaphore, #tpu.memory_space<semaphore_mem>>)
      %dma_wait3A = arith.constant 0 : i32
      %dma_wait3A_203 = arith.constant 0 : i32
      %dma_wait3A_204 = arith.constant 0 : i32
      %dma_wait3A_205 = arith.constant 0 : i32
      %dma_wait3A_206 = tpu.memref_slice %arg2[%add3A_86, %dma_wait3A, %dma_wait3A_203, %dma_wait3A_204, %dma_wait3A_205] : memref<6x16x4x40x128xi32, #tpu.memory_space<hbm>> -> memref<1x16x4x40x128xi32, #tpu.memory_space<hbm>>
      %dma_wait3A_207 = tpu.memref_squeeze %dma_wait3A_206 : memref<1x16x4x40x128xi32, #tpu.memory_space<hbm>> -> memref<16x4x40x128xi32, #tpu.memory_space<hbm>>
      %dma_wait3A_208 = arith.constant 0 : i32
      %dma_wait3A_209 = arith.constant 0 : i32
      %dma_wait3A_210 = arith.constant 0 : i32
      %dma_wait3A_211 = tpu.memref_slice %dma_wait3A_207[%arg1, %dma_wait3A_208, %dma_wait3A_209, %dma_wait3A_210] : memref<16x4x40x128xi32, #tpu.memory_space<hbm>> -> memref<1x4x40x128xi32, #tpu.memory_space<hbm>>
      %dma_wait3A_212 = tpu.memref_squeeze %dma_wait3A_211 : memref<1x4x40x128xi32, #tpu.memory_space<hbm>> -> memref<4x40x128xi32, #tpu.memory_space<hbm>>
      %dma_wait3A_213 = arith.constant 0 : i32
      %dma_wait3A_214 = arith.constant 0 : i32
      %dma_wait3A_215 = tpu.memref_slice %dma_wait3A_212[%run_scoped3A_93, %dma_wait3A_213, %dma_wait3A_214] : memref<4x40x128xi32, #tpu.memory_space<hbm>> -> memref<1x40x128xi32, #tpu.memory_space<hbm>>
      %dma_wait3A_216 = tpu.memref_squeeze %dma_wait3A_215 : memref<1x40x128xi32, #tpu.memory_space<hbm>> -> memref<40x128xi32, #tpu.memory_space<hbm>>
      %dma_wait3A_217 = arith.constant 0 : i32
      %dma_wait3A_218 = arith.constant 0 : i32
      %dma_wait3A_219 = arith.constant 0 : i32
      %dma_wait3A_220 = arith.constant 0 : i32
      %dma_wait3A_221 = tpu.memref_slice %arg2[%add3A_86, %dma_wait3A_217, %dma_wait3A_218, %dma_wait3A_219, %dma_wait3A_220] : memref<6x16x4x40x128xi32, #tpu.memory_space<hbm>> -> memref<1x16x4x40x128xi32, #tpu.memory_space<hbm>>
      %dma_wait3A_222 = tpu.memref_squeeze %dma_wait3A_221 : memref<1x16x4x40x128xi32, #tpu.memory_space<hbm>> -> memref<16x4x40x128xi32, #tpu.memory_space<hbm>>
      %dma_wait3A_223 = arith.constant 0 : i32
      %dma_wait3A_224 = arith.constant 0 : i32
      %dma_wait3A_225 = arith.constant 0 : i32
      %dma_wait3A_226 = tpu.memref_slice %dma_wait3A_222[%arg1, %dma_wait3A_223, %dma_wait3A_224, %dma_wait3A_225] : memref<16x4x40x128xi32, #tpu.memory_space<hbm>> -> memref<1x4x40x128xi32, #tpu.memory_space<hbm>>
      %dma_wait3A_227 = tpu.memref_squeeze %dma_wait3A_226 : memref<1x4x40x128xi32, #tpu.memory_space<hbm>> -> memref<4x40x128xi32, #tpu.memory_space<hbm>>
      %dma_wait3A_228 = arith.constant 0 : i32
      %dma_wait3A_229 = arith.constant 0 : i32
      %dma_wait3A_230 = tpu.memref_slice %dma_wait3A_227[%run_scoped3A_93, %dma_wait3A_228, %dma_wait3A_229] : memref<4x40x128xi32, #tpu.memory_space<hbm>> -> memref<1x40x128xi32, #tpu.memory_space<hbm>>
      %dma_wait3A_231 = tpu.memref_squeeze %dma_wait3A_230 : memref<1x40x128xi32, #tpu.memory_space<hbm>> -> memref<40x128xi32, #tpu.memory_space<hbm>>
      tpu.wait_dma2 semaphore(%run_scoped3A_173 : memref<!tpu.dma_semaphore, #tpu.memory_space<semaphore_mem>>) src(%dma_wait3A_231 : memref<40x128xi32, #tpu.memory_space<hbm>>) dst(%arg5 : memref<40x128xi32, #tpu.memory_space<vmem>>)
      tpu.yield
    }) : () -> ()
    %scan3A_94 = arith.constant 0 : i32
    %scan3A_95 = arith.constant 0 : i32
    %scan3A_96 = arith.constant 40 : i32
    %scan3A_97 = arith.addi %scan3A_95, %scan3A_96 : i32
    %scan3A_98 = arith.constant 1 : i32
    scf.for %scan3A_173 = %scan3A_95 to %scan3A_97 step %scan3A_98  : i32 {
      "tpu.region"() ({
        %run_scoped3A_174 = tpu.sem_alloc : memref<!tpu.dma_semaphore, #tpu.memory_space<semaphore_mem>>
        %dma_start3A = arith.constant 0 : i32
        %dma_start3A_175 = tpu.memref_slice %arg5[%scan3A_173, %dma_start3A] : memref<40x128xi32, #tpu.memory_space<vmem>> -> memref<1x128xi32, #tpu.memory_space<vmem>>
        %dma_start3A_176 = tpu.memref_squeeze %dma_start3A_175 : memref<1x128xi32, #tpu.memory_space<vmem>> -> memref<128xi32, #tpu.memory_space<vmem>>
        %dma_start3A_177 = arith.constant 0 : i32
        %dma_start3A_178 = tpu.memref_slice %arg7[%dma_start3A_177] : memref<10112xf32, #tpu.memory_space<vmem_shared>> -> memref<10112xf32, #tpu.memory_space<vmem_shared>>
        tpu.enqueue_indirect_dma source(%arg6 : memref<128xf32, #tpu.memory_space<vmem>>) target(%dma_start3A_178 : memref<10112xf32, #tpu.memory_space<vmem_shared>>) offsets(%dma_start3A_176 : memref<128xi32, #tpu.memory_space<vmem>>) semaphore(%run_scoped3A_174 : memref<!tpu.dma_semaphore, #tpu.memory_space<semaphore_mem>>) {add = true}
        %dma_wait3A = arith.constant 0 : i32
        %dma_wait3A_179 = tpu.memref_slice %arg5[%scan3A_173, %dma_wait3A] : memref<40x128xi32, #tpu.memory_space<vmem>> -> memref<1x128xi32, #tpu.memory_space<vmem>>
        %dma_wait3A_180 = tpu.memref_squeeze %dma_wait3A_179 : memref<1x128xi32, #tpu.memory_space<vmem>> -> memref<128xi32, #tpu.memory_space<vmem>>
        %dma_wait3A_181 = arith.constant 0 : i32
        %dma_wait3A_182 = tpu.memref_slice %arg7[%dma_wait3A_181] : memref<10112xf32, #tpu.memory_space<vmem_shared>> -> memref<10112xf32, #tpu.memory_space<vmem_shared>>
        tpu.wait_indirect_dma semaphore(%run_scoped3A_174 : memref<!tpu.dma_semaphore, #tpu.memory_space<semaphore_mem>>) src(%arg6 : memref<128xf32, #tpu.memory_space<vmem>>) dst(%dma_wait3A_182 : memref<10112xf32, #tpu.memory_space<vmem_shared>>)
        tpu.yield
      }) : () -> ()
    }
    %scan3A_99 = arith.constant 40 : i32
    %run_scoped3A_100 = arith.constant 1 : i32
    "tpu.region"() ({
      %run_scoped3A_173 = tpu.sem_alloc : memref<!tpu.dma_semaphore, #tpu.memory_space<semaphore_mem>>
      %dma_start3A = arith.constant 0 : i32
      %dma_start3A_174 = arith.constant 0 : i32
      %dma_start3A_175 = arith.constant 0 : i32
      %dma_start3A_176 = arith.constant 0 : i32
      %dma_start3A_177 = tpu.memref_slice %arg2[%add3A_86, %dma_start3A, %dma_start3A_174, %dma_start3A_175, %dma_start3A_176] : memref<6x16x4x40x128xi32, #tpu.memory_space<hbm>> -> memref<1x16x4x40x128xi32, #tpu.memory_space<hbm>>
      %dma_start3A_178 = tpu.memref_squeeze %dma_start3A_177 : memref<1x16x4x40x128xi32, #tpu.memory_space<hbm>> -> memref<16x4x40x128xi32, #tpu.memory_space<hbm>>
      %dma_start3A_179 = arith.constant 0 : i32
      %dma_start3A_180 = arith.constant 0 : i32
      %dma_start3A_181 = arith.constant 0 : i32
      %dma_start3A_182 = tpu.memref_slice %dma_start3A_178[%arg1, %dma_start3A_179, %dma_start3A_180, %dma_start3A_181] : memref<16x4x40x128xi32, #tpu.memory_space<hbm>> -> memref<1x4x40x128xi32, #tpu.memory_space<hbm>>
      %dma_start3A_183 = tpu.memref_squeeze %dma_start3A_182 : memref<1x4x40x128xi32, #tpu.memory_space<hbm>> -> memref<4x40x128xi32, #tpu.memory_space<hbm>>
      %dma_start3A_184 = arith.constant 0 : i32
      %dma_start3A_185 = arith.constant 0 : i32
      %dma_start3A_186 = tpu.memref_slice %dma_start3A_183[%run_scoped3A_100, %dma_start3A_184, %dma_start3A_185] : memref<4x40x128xi32, #tpu.memory_space<hbm>> -> memref<1x40x128xi32, #tpu.memory_space<hbm>>
      %dma_start3A_187 = tpu.memref_squeeze %dma_start3A_186 : memref<1x40x128xi32, #tpu.memory_space<hbm>> -> memref<40x128xi32, #tpu.memory_space<hbm>>
      %dma_start3A_188 = arith.constant 0 : i32
      %dma_start3A_189 = arith.constant 0 : i32
      %dma_start3A_190 = arith.constant 0 : i32
      %dma_start3A_191 = arith.constant 0 : i32
      %dma_start3A_192 = tpu.memref_slice %arg2[%add3A_86, %dma_start3A_188, %dma_start3A_189, %dma_start3A_190, %dma_start3A_191] : memref<6x16x4x40x128xi32, #tpu.memory_space<hbm>> -> memref<1x16x4x40x128xi32, #tpu.memory_space<hbm>>
      %dma_start3A_193 = tpu.memref_squeeze %dma_start3A_192 : memref<1x16x4x40x128xi32, #tpu.memory_space<hbm>> -> memref<16x4x40x128xi32, #tpu.memory_space<hbm>>
      %dma_start3A_194 = arith.constant 0 : i32
      %dma_start3A_195 = arith.constant 0 : i32
      %dma_start3A_196 = arith.constant 0 : i32
      %dma_start3A_197 = tpu.memref_slice %dma_start3A_193[%arg1, %dma_start3A_194, %dma_start3A_195, %dma_start3A_196] : memref<16x4x40x128xi32, #tpu.memory_space<hbm>> -> memref<1x4x40x128xi32, #tpu.memory_space<hbm>>
      %dma_start3A_198 = tpu.memref_squeeze %dma_start3A_197 : memref<1x4x40x128xi32, #tpu.memory_space<hbm>> -> memref<4x40x128xi32, #tpu.memory_space<hbm>>
      %dma_start3A_199 = arith.constant 0 : i32
      %dma_start3A_200 = arith.constant 0 : i32
      %dma_start3A_201 = tpu.memref_slice %dma_start3A_198[%run_scoped3A_100, %dma_start3A_199, %dma_start3A_200] : memref<4x40x128xi32, #tpu.memory_space<hbm>> -> memref<1x40x128xi32, #tpu.memory_space<hbm>>
      %dma_start3A_202 = tpu.memref_squeeze %dma_start3A_201 : memref<1x40x128xi32, #tpu.memory_space<hbm>> -> memref<40x128xi32, #tpu.memory_space<hbm>>
      tpu.enqueue_dma source(%dma_start3A_202 : memref<40x128xi32, #tpu.memory_space<hbm>>) target(%arg5 : memref<40x128xi32, #tpu.memory_space<vmem>>) target_semaphore(%run_scoped3A_173 : memref<!tpu.dma_semaphore, #tpu.memory_space<semaphore_mem>>)
      %dma_wait3A = arith.constant 0 : i32
      %dma_wait3A_203 = arith.constant 0 : i32
      %dma_wait3A_204 = arith.constant 0 : i32
      %dma_wait3A_205 = arith.constant 0 : i32
      %dma_wait3A_206 = tpu.memref_slice %arg2[%add3A_86, %dma_wait3A, %dma_wait3A_203, %dma_wait3A_204, %dma_wait3A_205] : memref<6x16x4x40x128xi32, #tpu.memory_space<hbm>> -> memref<1x16x4x40x128xi32, #tpu.memory_space<hbm>>
      %dma_wait3A_207 = tpu.memref_squeeze %dma_wait3A_206 : memref<1x16x4x40x128xi32, #tpu.memory_space<hbm>> -> memref<16x4x40x128xi32, #tpu.memory_space<hbm>>
      %dma_wait3A_208 = arith.constant 0 : i32
      %dma_wait3A_209 = arith.constant 0 : i32
      %dma_wait3A_210 = arith.constant 0 : i32
      %dma_wait3A_211 = tpu.memref_slice %dma_wait3A_207[%arg1, %dma_wait3A_208, %dma_wait3A_209, %dma_wait3A_210] : memref<16x4x40x128xi32, #tpu.memory_space<hbm>> -> memref<1x4x40x128xi32, #tpu.memory_space<hbm>>
      %dma_wait3A_212 = tpu.memref_squeeze %dma_wait3A_211 : memref<1x4x40x128xi32, #tpu.memory_space<hbm>> -> memref<4x40x128xi32, #tpu.memory_space<hbm>>
      %dma_wait3A_213 = arith.constant 0 : i32
      %dma_wait3A_214 = arith.constant 0 : i32
      %dma_wait3A_215 = tpu.memref_slice %dma_wait3A_212[%run_scoped3A_100, %dma_wait3A_213, %dma_wait3A_214] : memref<4x40x128xi32, #tpu.memory_space<hbm>> -> memref<1x40x128xi32, #tpu.memory_space<hbm>>
      %dma_wait3A_216 = tpu.memref_squeeze %dma_wait3A_215 : memref<1x40x128xi32, #tpu.memory_space<hbm>> -> memref<40x128xi32, #tpu.memory_space<hbm>>
      %dma_wait3A_217 = arith.constant 0 : i32
      %dma_wait3A_218 = arith.constant 0 : i32
      %dma_wait3A_219 = arith.constant 0 : i32
      %dma_wait3A_220 = arith.constant 0 : i32
      %dma_wait3A_221 = tpu.memref_slice %arg2[%add3A_86, %dma_wait3A_217, %dma_wait3A_218, %dma_wait3A_219, %dma_wait3A_220] : memref<6x16x4x40x128xi32, #tpu.memory_space<hbm>> -> memref<1x16x4x40x128xi32, #tpu.memory_space<hbm>>
      %dma_wait3A_222 = tpu.memref_squeeze %dma_wait3A_221 : memref<1x16x4x40x128xi32, #tpu.memory_space<hbm>> -> memref<16x4x40x128xi32, #tpu.memory_space<hbm>>
      %dma_wait3A_223 = arith.constant 0 : i32
      %dma_wait3A_224 = arith.constant 0 : i32
      %dma_wait3A_225 = arith.constant 0 : i32
      %dma_wait3A_226 = tpu.memref_slice %dma_wait3A_222[%arg1, %dma_wait3A_223, %dma_wait3A_224, %dma_wait3A_225] : memref<16x4x40x128xi32, #tpu.memory_space<hbm>> -> memref<1x4x40x128xi32, #tpu.memory_space<hbm>>
      %dma_wait3A_227 = tpu.memref_squeeze %dma_wait3A_226 : memref<1x4x40x128xi32, #tpu.memory_space<hbm>> -> memref<4x40x128xi32, #tpu.memory_space<hbm>>
      %dma_wait3A_228 = arith.constant 0 : i32
      %dma_wait3A_229 = arith.constant 0 : i32
      %dma_wait3A_230 = tpu.memref_slice %dma_wait3A_227[%run_scoped3A_100, %dma_wait3A_228, %dma_wait3A_229] : memref<4x40x128xi32, #tpu.memory_space<hbm>> -> memref<1x40x128xi32, #tpu.memory_space<hbm>>
      %dma_wait3A_231 = tpu.memref_squeeze %dma_wait3A_230 : memref<1x40x128xi32, #tpu.memory_space<hbm>> -> memref<40x128xi32, #tpu.memory_space<hbm>>
      tpu.wait_dma2 semaphore(%run_scoped3A_173 : memref<!tpu.dma_semaphore, #tpu.memory_space<semaphore_mem>>) src(%dma_wait3A_231 : memref<40x128xi32, #tpu.memory_space<hbm>>) dst(%arg5 : memref<40x128xi32, #tpu.memory_space<vmem>>)
      tpu.yield
    }) : () -> ()
    %scan3A_101 = arith.constant 0 : i32
    %scan3A_102 = arith.constant 0 : i32
    %scan3A_103 = arith.constant 40 : i32
    %scan3A_104 = arith.addi %scan3A_102, %scan3A_103 : i32
    %scan3A_105 = arith.constant 1 : i32
    scf.for %scan3A_173 = %scan3A_102 to %scan3A_104 step %scan3A_105  : i32 {
      "tpu.region"() ({
        %run_scoped3A_174 = tpu.sem_alloc : memref<!tpu.dma_semaphore, #tpu.memory_space<semaphore_mem>>
        %dma_start3A = arith.constant 0 : i32
        %dma_start3A_175 = tpu.memref_slice %arg5[%scan3A_173, %dma_start3A] : memref<40x128xi32, #tpu.memory_space<vmem>> -> memref<1x128xi32, #tpu.memory_space<vmem>>
        %dma_start3A_176 = tpu.memref_squeeze %dma_start3A_175 : memref<1x128xi32, #tpu.memory_space<vmem>> -> memref<128xi32, #tpu.memory_space<vmem>>
        %dma_start3A_177 = arith.constant 0 : i32
        %dma_start3A_178 = tpu.memref_slice %arg7[%dma_start3A_177] : memref<10112xf32, #tpu.memory_space<vmem_shared>> -> memref<10112xf32, #tpu.memory_space<vmem_shared>>
        tpu.enqueue_indirect_dma source(%arg6 : memref<128xf32, #tpu.memory_space<vmem>>) target(%dma_start3A_178 : memref<10112xf32, #tpu.memory_space<vmem_shared>>) offsets(%dma_start3A_176 : memref<128xi32, #tpu.memory_space<vmem>>) semaphore(%run_scoped3A_174 : memref<!tpu.dma_semaphore, #tpu.memory_space<semaphore_mem>>) {add = true}
        %dma_wait3A = arith.constant 0 : i32
        %dma_wait3A_179 = tpu.memref_slice %arg5[%scan3A_173, %dma_wait3A] : memref<40x128xi32, #tpu.memory_space<vmem>> -> memref<1x128xi32, #tpu.memory_space<vmem>>
        %dma_wait3A_180 = tpu.memref_squeeze %dma_wait3A_179 : memref<1x128xi32, #tpu.memory_space<vmem>> -> memref<128xi32, #tpu.memory_space<vmem>>
        %dma_wait3A_181 = arith.constant 0 : i32
        %dma_wait3A_182 = tpu.memref_slice %arg7[%dma_wait3A_181] : memref<10112xf32, #tpu.memory_space<vmem_shared>> -> memref<10112xf32, #tpu.memory_space<vmem_shared>>
        tpu.wait_indirect_dma semaphore(%run_scoped3A_174 : memref<!tpu.dma_semaphore, #tpu.memory_space<semaphore_mem>>) src(%arg6 : memref<128xf32, #tpu.memory_space<vmem>>) dst(%dma_wait3A_182 : memref<10112xf32, #tpu.memory_space<vmem_shared>>)
        tpu.yield
      }) : () -> ()
    }
    %scan3A_106 = arith.constant 40 : i32
    %run_scoped3A_107 = arith.constant 2 : i32
    "tpu.region"() ({
      %run_scoped3A_173 = tpu.sem_alloc : memref<!tpu.dma_semaphore, #tpu.memory_space<semaphore_mem>>
      %dma_start3A = arith.constant 0 : i32
      %dma_start3A_174 = arith.constant 0 : i32
      %dma_start3A_175 = arith.constant 0 : i32
      %dma_start3A_176 = arith.constant 0 : i32
      %dma_start3A_177 = tpu.memref_slice %arg2[%add3A_86, %dma_start3A, %dma_start3A_174, %dma_start3A_175, %dma_start3A_176] : memref<6x16x4x40x128xi32, #tpu.memory_space<hbm>> -> memref<1x16x4x40x128xi32, #tpu.memory_space<hbm>>
      %dma_start3A_178 = tpu.memref_squeeze %dma_start3A_177 : memref<1x16x4x40x128xi32, #tpu.memory_space<hbm>> -> memref<16x4x40x128xi32, #tpu.memory_space<hbm>>
      %dma_start3A_179 = arith.constant 0 : i32
      %dma_start3A_180 = arith.constant 0 : i32
      %dma_start3A_181 = arith.constant 0 : i32
      %dma_start3A_182 = tpu.memref_slice %dma_start3A_178[%arg1, %dma_start3A_179, %dma_start3A_180, %dma_start3A_181] : memref<16x4x40x128xi32, #tpu.memory_space<hbm>> -> memref<1x4x40x128xi32, #tpu.memory_space<hbm>>
      %dma_start3A_183 = tpu.memref_squeeze %dma_start3A_182 : memref<1x4x40x128xi32, #tpu.memory_space<hbm>> -> memref<4x40x128xi32, #tpu.memory_space<hbm>>
      %dma_start3A_184 = arith.constant 0 : i32
      %dma_start3A_185 = arith.constant 0 : i32
      %dma_start3A_186 = tpu.memref_slice %dma_start3A_183[%run_scoped3A_107, %dma_start3A_184, %dma_start3A_185] : memref<4x40x128xi32, #tpu.memory_space<hbm>> -> memref<1x40x128xi32, #tpu.memory_space<hbm>>
      %dma_start3A_187 = tpu.memref_squeeze %dma_start3A_186 : memref<1x40x128xi32, #tpu.memory_space<hbm>> -> memref<40x128xi32, #tpu.memory_space<hbm>>
      %dma_start3A_188 = arith.constant 0 : i32
      %dma_start3A_189 = arith.constant 0 : i32
      %dma_start3A_190 = arith.constant 0 : i32
      %dma_start3A_191 = arith.constant 0 : i32
      %dma_start3A_192 = tpu.memref_slice %arg2[%add3A_86, %dma_start3A_188, %dma_start3A_189, %dma_start3A_190, %dma_start3A_191] : memref<6x16x4x40x128xi32, #tpu.memory_space<hbm>> -> memref<1x16x4x40x128xi32, #tpu.memory_space<hbm>>
      %dma_start3A_193 = tpu.memref_squeeze %dma_start3A_192 : memref<1x16x4x40x128xi32, #tpu.memory_space<hbm>> -> memref<16x4x40x128xi32, #tpu.memory_space<hbm>>
      %dma_start3A_194 = arith.constant 0 : i32
      %dma_start3A_195 = arith.constant 0 : i32
      %dma_start3A_196 = arith.constant 0 : i32
      %dma_start3A_197 = tpu.memref_slice %dma_start3A_193[%arg1, %dma_start3A_194, %dma_start3A_195, %dma_start3A_196] : memref<16x4x40x128xi32, #tpu.memory_space<hbm>> -> memref<1x4x40x128xi32, #tpu.memory_space<hbm>>
      %dma_start3A_198 = tpu.memref_squeeze %dma_start3A_197 : memref<1x4x40x128xi32, #tpu.memory_space<hbm>> -> memref<4x40x128xi32, #tpu.memory_space<hbm>>
      %dma_start3A_199 = arith.constant 0 : i32
      %dma_start3A_200 = arith.constant 0 : i32
      %dma_start3A_201 = tpu.memref_slice %dma_start3A_198[%run_scoped3A_107, %dma_start3A_199, %dma_start3A_200] : memref<4x40x128xi32, #tpu.memory_space<hbm>> -> memref<1x40x128xi32, #tpu.memory_space<hbm>>
      %dma_start3A_202 = tpu.memref_squeeze %dma_start3A_201 : memref<1x40x128xi32, #tpu.memory_space<hbm>> -> memref<40x128xi32, #tpu.memory_space<hbm>>
      tpu.enqueue_dma source(%dma_start3A_202 : memref<40x128xi32, #tpu.memory_space<hbm>>) target(%arg5 : memref<40x128xi32, #tpu.memory_space<vmem>>) target_semaphore(%run_scoped3A_173 : memref<!tpu.dma_semaphore, #tpu.memory_space<semaphore_mem>>)
      %dma_wait3A = arith.constant 0 : i32
      %dma_wait3A_203 = arith.constant 0 : i32
      %dma_wait3A_204 = arith.constant 0 : i32
      %dma_wait3A_205 = arith.constant 0 : i32
      %dma_wait3A_206 = tpu.memref_slice %arg2[%add3A_86, %dma_wait3A, %dma_wait3A_203, %dma_wait3A_204, %dma_wait3A_205] : memref<6x16x4x40x128xi32, #tpu.memory_space<hbm>> -> memref<1x16x4x40x128xi32, #tpu.memory_space<hbm>>
      %dma_wait3A_207 = tpu.memref_squeeze %dma_wait3A_206 : memref<1x16x4x40x128xi32, #tpu.memory_space<hbm>> -> memref<16x4x40x128xi32, #tpu.memory_space<hbm>>
      %dma_wait3A_208 = arith.constant 0 : i32
      %dma_wait3A_209 = arith.constant 0 : i32
      %dma_wait3A_210 = arith.constant 0 : i32
      %dma_wait3A_211 = tpu.memref_slice %dma_wait3A_207[%arg1, %dma_wait3A_208, %dma_wait3A_209, %dma_wait3A_210] : memref<16x4x40x128xi32, #tpu.memory_space<hbm>> -> memref<1x4x40x128xi32, #tpu.memory_space<hbm>>
      %dma_wait3A_212 = tpu.memref_squeeze %dma_wait3A_211 : memref<1x4x40x128xi32, #tpu.memory_space<hbm>> -> memref<4x40x128xi32, #tpu.memory_space<hbm>>
      %dma_wait3A_213 = arith.constant 0 : i32
      %dma_wait3A_214 = arith.constant 0 : i32
      %dma_wait3A_215 = tpu.memref_slice %dma_wait3A_212[%run_scoped3A_107, %dma_wait3A_213, %dma_wait3A_214] : memref<4x40x128xi32, #tpu.memory_space<hbm>> -> memref<1x40x128xi32, #tpu.memory_space<hbm>>
      %dma_wait3A_216 = tpu.memref_squeeze %dma_wait3A_215 : memref<1x40x128xi32, #tpu.memory_space<hbm>> -> memref<40x128xi32, #tpu.memory_space<hbm>>
      %dma_wait3A_217 = arith.constant 0 : i32
      %dma_wait3A_218 = arith.constant 0 : i32
      %dma_wait3A_219 = arith.constant 0 : i32
      %dma_wait3A_220 = arith.constant 0 : i32
      %dma_wait3A_221 = tpu.memref_slice %arg2[%add3A_86, %dma_wait3A_217, %dma_wait3A_218, %dma_wait3A_219, %dma_wait3A_220] : memref<6x16x4x40x128xi32, #tpu.memory_space<hbm>> -> memref<1x16x4x40x128xi32, #tpu.memory_space<hbm>>
      %dma_wait3A_222 = tpu.memref_squeeze %dma_wait3A_221 : memref<1x16x4x40x128xi32, #tpu.memory_space<hbm>> -> memref<16x4x40x128xi32, #tpu.memory_space<hbm>>
      %dma_wait3A_223 = arith.constant 0 : i32
      %dma_wait3A_224 = arith.constant 0 : i32
      %dma_wait3A_225 = arith.constant 0 : i32
      %dma_wait3A_226 = tpu.memref_slice %dma_wait3A_222[%arg1, %dma_wait3A_223, %dma_wait3A_224, %dma_wait3A_225] : memref<16x4x40x128xi32, #tpu.memory_space<hbm>> -> memref<1x4x40x128xi32, #tpu.memory_space<hbm>>
      %dma_wait3A_227 = tpu.memref_squeeze %dma_wait3A_226 : memref<1x4x40x128xi32, #tpu.memory_space<hbm>> -> memref<4x40x128xi32, #tpu.memory_space<hbm>>
      %dma_wait3A_228 = arith.constant 0 : i32
      %dma_wait3A_229 = arith.constant 0 : i32
      %dma_wait3A_230 = tpu.memref_slice %dma_wait3A_227[%run_scoped3A_107, %dma_wait3A_228, %dma_wait3A_229] : memref<4x40x128xi32, #tpu.memory_space<hbm>> -> memref<1x40x128xi32, #tpu.memory_space<hbm>>
      %dma_wait3A_231 = tpu.memref_squeeze %dma_wait3A_230 : memref<1x40x128xi32, #tpu.memory_space<hbm>> -> memref<40x128xi32, #tpu.memory_space<hbm>>
      tpu.wait_dma2 semaphore(%run_scoped3A_173 : memref<!tpu.dma_semaphore, #tpu.memory_space<semaphore_mem>>) src(%dma_wait3A_231 : memref<40x128xi32, #tpu.memory_space<hbm>>) dst(%arg5 : memref<40x128xi32, #tpu.memory_space<vmem>>)
      tpu.yield
    }) : () -> ()
    %scan3A_108 = arith.constant 0 : i32
    %scan3A_109 = arith.constant 0 : i32
    %scan3A_110 = arith.constant 40 : i32
    %scan3A_111 = arith.addi %scan3A_109, %scan3A_110 : i32
    %scan3A_112 = arith.constant 1 : i32
    scf.for %scan3A_173 = %scan3A_109 to %scan3A_111 step %scan3A_112  : i32 {
      "tpu.region"() ({
        %run_scoped3A_174 = tpu.sem_alloc : memref<!tpu.dma_semaphore, #tpu.memory_space<semaphore_mem>>
        %dma_start3A = arith.constant 0 : i32
        %dma_start3A_175 = tpu.memref_slice %arg5[%scan3A_173, %dma_start3A] : memref<40x128xi32, #tpu.memory_space<vmem>> -> memref<1x128xi32, #tpu.memory_space<vmem>>
        %dma_start3A_176 = tpu.memref_squeeze %dma_start3A_175 : memref<1x128xi32, #tpu.memory_space<vmem>> -> memref<128xi32, #tpu.memory_space<vmem>>
        %dma_start3A_177 = arith.constant 0 : i32
        %dma_start3A_178 = tpu.memref_slice %arg7[%dma_start3A_177] : memref<10112xf32, #tpu.memory_space<vmem_shared>> -> memref<10112xf32, #tpu.memory_space<vmem_shared>>
        tpu.enqueue_indirect_dma source(%arg6 : memref<128xf32, #tpu.memory_space<vmem>>) target(%dma_start3A_178 : memref<10112xf32, #tpu.memory_space<vmem_shared>>) offsets(%dma_start3A_176 : memref<128xi32, #tpu.memory_space<vmem>>) semaphore(%run_scoped3A_174 : memref<!tpu.dma_semaphore, #tpu.memory_space<semaphore_mem>>) {add = true}
        %dma_wait3A = arith.constant 0 : i32
        %dma_wait3A_179 = tpu.memref_slice %arg5[%scan3A_173, %dma_wait3A] : memref<40x128xi32, #tpu.memory_space<vmem>> -> memref<1x128xi32, #tpu.memory_space<vmem>>
        %dma_wait3A_180 = tpu.memref_squeeze %dma_wait3A_179 : memref<1x128xi32, #tpu.memory_space<vmem>> -> memref<128xi32, #tpu.memory_space<vmem>>
        %dma_wait3A_181 = arith.constant 0 : i32
        %dma_wait3A_182 = tpu.memref_slice %arg7[%dma_wait3A_181] : memref<10112xf32, #tpu.memory_space<vmem_shared>> -> memref<10112xf32, #tpu.memory_space<vmem_shared>>
        tpu.wait_indirect_dma semaphore(%run_scoped3A_174 : memref<!tpu.dma_semaphore, #tpu.memory_space<semaphore_mem>>) src(%arg6 : memref<128xf32, #tpu.memory_space<vmem>>) dst(%dma_wait3A_182 : memref<10112xf32, #tpu.memory_space<vmem_shared>>)
        tpu.yield
      }) : () -> ()
    }
    %scan3A_113 = arith.constant 40 : i32
    %run_scoped3A_114 = arith.constant 3 : i32
    "tpu.region"() ({
      %run_scoped3A_173 = tpu.sem_alloc : memref<!tpu.dma_semaphore, #tpu.memory_space<semaphore_mem>>
      %dma_start3A = arith.constant 0 : i32
      %dma_start3A_174 = arith.constant 0 : i32
      %dma_start3A_175 = arith.constant 0 : i32
      %dma_start3A_176 = arith.constant 0 : i32
      %dma_start3A_177 = tpu.memref_slice %arg2[%add3A_86, %dma_start3A, %dma_start3A_174, %dma_start3A_175, %dma_start3A_176] : memref<6x16x4x40x128xi32, #tpu.memory_space<hbm>> -> memref<1x16x4x40x128xi32, #tpu.memory_space<hbm>>
      %dma_start3A_178 = tpu.memref_squeeze %dma_start3A_177 : memref<1x16x4x40x128xi32, #tpu.memory_space<hbm>> -> memref<16x4x40x128xi32, #tpu.memory_space<hbm>>
      %dma_start3A_179 = arith.constant 0 : i32
      %dma_start3A_180 = arith.constant 0 : i32
      %dma_start3A_181 = arith.constant 0 : i32
      %dma_start3A_182 = tpu.memref_slice %dma_start3A_178[%arg1, %dma_start3A_179, %dma_start3A_180, %dma_start3A_181] : memref<16x4x40x128xi32, #tpu.memory_space<hbm>> -> memref<1x4x40x128xi32, #tpu.memory_space<hbm>>
      %dma_start3A_183 = tpu.memref_squeeze %dma_start3A_182 : memref<1x4x40x128xi32, #tpu.memory_space<hbm>> -> memref<4x40x128xi32, #tpu.memory_space<hbm>>
      %dma_start3A_184 = arith.constant 0 : i32
      %dma_start3A_185 = arith.constant 0 : i32
      %dma_start3A_186 = tpu.memref_slice %dma_start3A_183[%run_scoped3A_114, %dma_start3A_184, %dma_start3A_185] : memref<4x40x128xi32, #tpu.memory_space<hbm>> -> memref<1x40x128xi32, #tpu.memory_space<hbm>>
      %dma_start3A_187 = tpu.memref_squeeze %dma_start3A_186 : memref<1x40x128xi32, #tpu.memory_space<hbm>> -> memref<40x128xi32, #tpu.memory_space<hbm>>
      %dma_start3A_188 = arith.constant 0 : i32
      %dma_start3A_189 = arith.constant 0 : i32
      %dma_start3A_190 = arith.constant 0 : i32
      %dma_start3A_191 = arith.constant 0 : i32
      %dma_start3A_192 = tpu.memref_slice %arg2[%add3A_86, %dma_start3A_188, %dma_start3A_189, %dma_start3A_190, %dma_start3A_191] : memref<6x16x4x40x128xi32, #tpu.memory_space<hbm>> -> memref<1x16x4x40x128xi32, #tpu.memory_space<hbm>>
      %dma_start3A_193 = tpu.memref_squeeze %dma_start3A_192 : memref<1x16x4x40x128xi32, #tpu.memory_space<hbm>> -> memref<16x4x40x128xi32, #tpu.memory_space<hbm>>
      %dma_start3A_194 = arith.constant 0 : i32
      %dma_start3A_195 = arith.constant 0 : i32
      %dma_start3A_196 = arith.constant 0 : i32
      %dma_start3A_197 = tpu.memref_slice %dma_start3A_193[%arg1, %dma_start3A_194, %dma_start3A_195, %dma_start3A_196] : memref<16x4x40x128xi32, #tpu.memory_space<hbm>> -> memref<1x4x40x128xi32, #tpu.memory_space<hbm>>
      %dma_start3A_198 = tpu.memref_squeeze %dma_start3A_197 : memref<1x4x40x128xi32, #tpu.memory_space<hbm>> -> memref<4x40x128xi32, #tpu.memory_space<hbm>>
      %dma_start3A_199 = arith.constant 0 : i32
      %dma_start3A_200 = arith.constant 0 : i32
      %dma_start3A_201 = tpu.memref_slice %dma_start3A_198[%run_scoped3A_114, %dma_start3A_199, %dma_start3A_200] : memref<4x40x128xi32, #tpu.memory_space<hbm>> -> memref<1x40x128xi32, #tpu.memory_space<hbm>>
      %dma_start3A_202 = tpu.memref_squeeze %dma_start3A_201 : memref<1x40x128xi32, #tpu.memory_space<hbm>> -> memref<40x128xi32, #tpu.memory_space<hbm>>
      tpu.enqueue_dma source(%dma_start3A_202 : memref<40x128xi32, #tpu.memory_space<hbm>>) target(%arg5 : memref<40x128xi32, #tpu.memory_space<vmem>>) target_semaphore(%run_scoped3A_173 : memref<!tpu.dma_semaphore, #tpu.memory_space<semaphore_mem>>)
      %dma_wait3A = arith.constant 0 : i32
      %dma_wait3A_203 = arith.constant 0 : i32
      %dma_wait3A_204 = arith.constant 0 : i32
      %dma_wait3A_205 = arith.constant 0 : i32
      %dma_wait3A_206 = tpu.memref_slice %arg2[%add3A_86, %dma_wait3A, %dma_wait3A_203, %dma_wait3A_204, %dma_wait3A_205] : memref<6x16x4x40x128xi32, #tpu.memory_space<hbm>> -> memref<1x16x4x40x128xi32, #tpu.memory_space<hbm>>
      %dma_wait3A_207 = tpu.memref_squeeze %dma_wait3A_206 : memref<1x16x4x40x128xi32, #tpu.memory_space<hbm>> -> memref<16x4x40x128xi32, #tpu.memory_space<hbm>>
      %dma_wait3A_208 = arith.constant 0 : i32
      %dma_wait3A_209 = arith.constant 0 : i32
      %dma_wait3A_210 = arith.constant 0 : i32
      %dma_wait3A_211 = tpu.memref_slice %dma_wait3A_207[%arg1, %dma_wait3A_208, %dma_wait3A_209, %dma_wait3A_210] : memref<16x4x40x128xi32, #tpu.memory_space<hbm>> -> memref<1x4x40x128xi32, #tpu.memory_space<hbm>>
      %dma_wait3A_212 = tpu.memref_squeeze %dma_wait3A_211 : memref<1x4x40x128xi32, #tpu.memory_space<hbm>> -> memref<4x40x128xi32, #tpu.memory_space<hbm>>
      %dma_wait3A_213 = arith.constant 0 : i32
      %dma_wait3A_214 = arith.constant 0 : i32
      %dma_wait3A_215 = tpu.memref_slice %dma_wait3A_212[%run_scoped3A_114, %dma_wait3A_213, %dma_wait3A_214] : memref<4x40x128xi32, #tpu.memory_space<hbm>> -> memref<1x40x128xi32, #tpu.memory_space<hbm>>
      %dma_wait3A_216 = tpu.memref_squeeze %dma_wait3A_215 : memref<1x40x128xi32, #tpu.memory_space<hbm>> -> memref<40x128xi32, #tpu.memory_space<hbm>>
      %dma_wait3A_217 = arith.constant 0 : i32
      %dma_wait3A_218 = arith.constant 0 : i32
      %dma_wait3A_219 = arith.constant 0 : i32
      %dma_wait3A_220 = arith.constant 0 : i32
      %dma_wait3A_221 = tpu.memref_slice %arg2[%add3A_86, %dma_wait3A_217, %dma_wait3A_218, %dma_wait3A_219, %dma_wait3A_220] : memref<6x16x4x40x128xi32, #tpu.memory_space<hbm>> -> memref<1x16x4x40x128xi32, #tpu.memory_space<hbm>>
      %dma_wait3A_222 = tpu.memref_squeeze %dma_wait3A_221 : memref<1x16x4x40x128xi32, #tpu.memory_space<hbm>> -> memref<16x4x40x128xi32, #tpu.memory_space<hbm>>
      %dma_wait3A_223 = arith.constant 0 : i32
      %dma_wait3A_224 = arith.constant 0 : i32
      %dma_wait3A_225 = arith.constant 0 : i32
      %dma_wait3A_226 = tpu.memref_slice %dma_wait3A_222[%arg1, %dma_wait3A_223, %dma_wait3A_224, %dma_wait3A_225] : memref<16x4x40x128xi32, #tpu.memory_space<hbm>> -> memref<1x4x40x128xi32, #tpu.memory_space<hbm>>
      %dma_wait3A_227 = tpu.memref_squeeze %dma_wait3A_226 : memref<1x4x40x128xi32, #tpu.memory_space<hbm>> -> memref<4x40x128xi32, #tpu.memory_space<hbm>>
      %dma_wait3A_228 = arith.constant 0 : i32
      %dma_wait3A_229 = arith.constant 0 : i32
      %dma_wait3A_230 = tpu.memref_slice %dma_wait3A_227[%run_scoped3A_114, %dma_wait3A_228, %dma_wait3A_229] : memref<4x40x128xi32, #tpu.memory_space<hbm>> -> memref<1x40x128xi32, #tpu.memory_space<hbm>>
      %dma_wait3A_231 = tpu.memref_squeeze %dma_wait3A_230 : memref<1x40x128xi32, #tpu.memory_space<hbm>> -> memref<40x128xi32, #tpu.memory_space<hbm>>
      tpu.wait_dma2 semaphore(%run_scoped3A_173 : memref<!tpu.dma_semaphore, #tpu.memory_space<semaphore_mem>>) src(%dma_wait3A_231 : memref<40x128xi32, #tpu.memory_space<hbm>>) dst(%arg5 : memref<40x128xi32, #tpu.memory_space<vmem>>)
      tpu.yield
    }) : () -> ()
    %scan3A_115 = arith.constant 0 : i32
    %scan3A_116 = arith.constant 0 : i32
    %scan3A_117 = arith.constant 40 : i32
    %scan3A_118 = arith.addi %scan3A_116, %scan3A_117 : i32
    %scan3A_119 = arith.constant 1 : i32
    scf.for %scan3A_173 = %scan3A_116 to %scan3A_118 step %scan3A_119  : i32 {
      "tpu.region"() ({
        %run_scoped3A_174 = tpu.sem_alloc : memref<!tpu.dma_semaphore, #tpu.memory_space<semaphore_mem>>
        %dma_start3A = arith.constant 0 : i32
        %dma_start3A_175 = tpu.memref_slice %arg5[%scan3A_173, %dma_start3A] : memref<40x128xi32, #tpu.memory_space<vmem>> -> memref<1x128xi32, #tpu.memory_space<vmem>>
        %dma_start3A_176 = tpu.memref_squeeze %dma_start3A_175 : memref<1x128xi32, #tpu.memory_space<vmem>> -> memref<128xi32, #tpu.memory_space<vmem>>
        %dma_start3A_177 = arith.constant 0 : i32
        %dma_start3A_178 = tpu.memref_slice %arg7[%dma_start3A_177] : memref<10112xf32, #tpu.memory_space<vmem_shared>> -> memref<10112xf32, #tpu.memory_space<vmem_shared>>
        tpu.enqueue_indirect_dma source(%arg6 : memref<128xf32, #tpu.memory_space<vmem>>) target(%dma_start3A_178 : memref<10112xf32, #tpu.memory_space<vmem_shared>>) offsets(%dma_start3A_176 : memref<128xi32, #tpu.memory_space<vmem>>) semaphore(%run_scoped3A_174 : memref<!tpu.dma_semaphore, #tpu.memory_space<semaphore_mem>>) {add = true}
        %dma_wait3A = arith.constant 0 : i32
        %dma_wait3A_179 = tpu.memref_slice %arg5[%scan3A_173, %dma_wait3A] : memref<40x128xi32, #tpu.memory_space<vmem>> -> memref<1x128xi32, #tpu.memory_space<vmem>>
        %dma_wait3A_180 = tpu.memref_squeeze %dma_wait3A_179 : memref<1x128xi32, #tpu.memory_space<vmem>> -> memref<128xi32, #tpu.memory_space<vmem>>
        %dma_wait3A_181 = arith.constant 0 : i32
        %dma_wait3A_182 = tpu.memref_slice %arg7[%dma_wait3A_181] : memref<10112xf32, #tpu.memory_space<vmem_shared>> -> memref<10112xf32, #tpu.memory_space<vmem_shared>>
        tpu.wait_indirect_dma semaphore(%run_scoped3A_174 : memref<!tpu.dma_semaphore, #tpu.memory_space<semaphore_mem>>) src(%arg6 : memref<128xf32, #tpu.memory_space<vmem>>) dst(%dma_wait3A_182 : memref<10112xf32, #tpu.memory_space<vmem_shared>>)
        tpu.yield
      }) : () -> ()
    }
    %scan3A_120 = arith.constant 40 : i32
    %barrier3A_121 = arith.constant 0 : index
    tpu.barrier barrier_id(%barrier3A_121)
    %eq3A_122 = arith.constant 0 : i32
    %eq3A_123 = arith.cmpi eq, %arg1, %eq3A_122 : i32
    %convert_element_type3A_124 = arith.extui %eq3A_123 : i1 to i32
    %cond3A_125 = arith.constant 0 : i32
    %cond3A_126 = arith.cmpi ne, %convert_element_type3A_124, %cond3A_125 : i32
    scf.if %cond3A_126 {
      "tpu.region"() ({
        %run_scoped3A_173 = tpu.sem_alloc : memref<!tpu.dma_semaphore, #tpu.memory_space<semaphore_mem>>
        %dma_start3A = arith.constant 0 : i32
        %dma_start3A_174 = tpu.memref_slice %arg4[%add3A_86, %dma_start3A] : memref<6x10112xf32, #tpu.memory_space<hbm>> -> memref<1x10112xf32, #tpu.memory_space<hbm>>
        %dma_start3A_175 = tpu.memref_squeeze %dma_start3A_174 : memref<1x10112xf32, #tpu.memory_space<hbm>> -> memref<10112xf32, #tpu.memory_space<hbm>>
        tpu.enqueue_dma source(%arg7 : memref<10112xf32, #tpu.memory_space<vmem_shared>>) target(%dma_start3A_175 : memref<10112xf32, #tpu.memory_space<hbm>>) target_semaphore(%run_scoped3A_173 : memref<!tpu.dma_semaphore, #tpu.memory_space<semaphore_mem>>)
        %dma_wait3A = arith.constant 0 : i32
        %dma_wait3A_176 = tpu.memref_slice %arg4[%add3A_86, %dma_wait3A] : memref<6x10112xf32, #tpu.memory_space<hbm>> -> memref<1x10112xf32, #tpu.memory_space<hbm>>
        %dma_wait3A_177 = tpu.memref_squeeze %dma_wait3A_176 : memref<1x10112xf32, #tpu.memory_space<hbm>> -> memref<10112xf32, #tpu.memory_space<hbm>>
        tpu.wait_dma2 semaphore(%run_scoped3A_173 : memref<!tpu.dma_semaphore, #tpu.memory_space<semaphore_mem>>) src(%arg7 : memref<10112xf32, #tpu.memory_space<vmem_shared>>) dst(%dma_wait3A_177 : memref<10112xf32, #tpu.memory_space<hbm>>)
        tpu.yield
      }) : () -> ()
    } else {
    }
    %barrier3A_127 = arith.constant 0 : index
    tpu.barrier barrier_id(%barrier3A_127)
    %mul3A_128 = arith.constant 3 : i32
    %mul3A_129 = arith.muli %arg0, %mul3A_128 : i32
    %add3A_130 = arith.constant 2 : i32
    %add3A_131 = arith.addi %mul3A_129, %add3A_130 : i32
    %eq3A_132 = arith.constant 0 : i32
    %eq3A_133 = arith.cmpi eq, %arg1, %eq3A_132 : i32
    %convert_element_type3A_134 = arith.extui %eq3A_133 : i1 to i32
    %cond3A_135 = arith.constant 0 : i32
    %cond3A_136 = arith.cmpi ne, %convert_element_type3A_134, %cond3A_135 : i32
    scf.if %cond3A_136 {
      "tpu.region"() ({
        %run_scoped3A_173 = tpu.sem_alloc : memref<!tpu.dma_semaphore, #tpu.memory_space<semaphore_mem>>
        tpu.enqueue_dma source(%arg3 : memref<10112xf32, #tpu.memory_space<hbm>>) target(%arg7 : memref<10112xf32, #tpu.memory_space<vmem_shared>>) target_semaphore(%run_scoped3A_173 : memref<!tpu.dma_semaphore, #tpu.memory_space<semaphore_mem>>)
        tpu.wait_dma2 semaphore(%run_scoped3A_173 : memref<!tpu.dma_semaphore, #tpu.memory_space<semaphore_mem>>) src(%arg3 : memref<10112xf32, #tpu.memory_space<hbm>>) dst(%arg7 : memref<10112xf32, #tpu.memory_space<vmem_shared>>)
        tpu.yield
      }) : () -> ()
    } else {
    }
    %barrier3A_137 = arith.constant 0 : index
    tpu.barrier barrier_id(%barrier3A_137)
    %run_scoped3A_138 = arith.constant 0 : i32
    "tpu.region"() ({
      %run_scoped3A_173 = tpu.sem_alloc : memref<!tpu.dma_semaphore, #tpu.memory_space<semaphore_mem>>
      %dma_start3A = arith.constant 0 : i32
      %dma_start3A_174 = arith.constant 0 : i32
      %dma_start3A_175 = arith.constant 0 : i32
      %dma_start3A_176 = arith.constant 0 : i32
      %dma_start3A_177 = tpu.memref_slice %arg2[%add3A_131, %dma_start3A, %dma_start3A_174, %dma_start3A_175, %dma_start3A_176] : memref<6x16x4x40x128xi32, #tpu.memory_space<hbm>> -> memref<1x16x4x40x128xi32, #tpu.memory_space<hbm>>
      %dma_start3A_178 = tpu.memref_squeeze %dma_start3A_177 : memref<1x16x4x40x128xi32, #tpu.memory_space<hbm>> -> memref<16x4x40x128xi32, #tpu.memory_space<hbm>>
      %dma_start3A_179 = arith.constant 0 : i32
      %dma_start3A_180 = arith.constant 0 : i32
      %dma_start3A_181 = arith.constant 0 : i32
      %dma_start3A_182 = tpu.memref_slice %dma_start3A_178[%arg1, %dma_start3A_179, %dma_start3A_180, %dma_start3A_181] : memref<16x4x40x128xi32, #tpu.memory_space<hbm>> -> memref<1x4x40x128xi32, #tpu.memory_space<hbm>>
      %dma_start3A_183 = tpu.memref_squeeze %dma_start3A_182 : memref<1x4x40x128xi32, #tpu.memory_space<hbm>> -> memref<4x40x128xi32, #tpu.memory_space<hbm>>
      %dma_start3A_184 = arith.constant 0 : i32
      %dma_start3A_185 = arith.constant 0 : i32
      %dma_start3A_186 = tpu.memref_slice %dma_start3A_183[%run_scoped3A_138, %dma_start3A_184, %dma_start3A_185] : memref<4x40x128xi32, #tpu.memory_space<hbm>> -> memref<1x40x128xi32, #tpu.memory_space<hbm>>
      %dma_start3A_187 = tpu.memref_squeeze %dma_start3A_186 : memref<1x40x128xi32, #tpu.memory_space<hbm>> -> memref<40x128xi32, #tpu.memory_space<hbm>>
      %dma_start3A_188 = arith.constant 0 : i32
      %dma_start3A_189 = arith.constant 0 : i32
      %dma_start3A_190 = arith.constant 0 : i32
      %dma_start3A_191 = arith.constant 0 : i32
      %dma_start3A_192 = tpu.memref_slice %arg2[%add3A_131, %dma_start3A_188, %dma_start3A_189, %dma_start3A_190, %dma_start3A_191] : memref<6x16x4x40x128xi32, #tpu.memory_space<hbm>> -> memref<1x16x4x40x128xi32, #tpu.memory_space<hbm>>
      %dma_start3A_193 = tpu.memref_squeeze %dma_start3A_192 : memref<1x16x4x40x128xi32, #tpu.memory_space<hbm>> -> memref<16x4x40x128xi32, #tpu.memory_space<hbm>>
      %dma_start3A_194 = arith.constant 0 : i32
      %dma_start3A_195 = arith.constant 0 : i32
      %dma_start3A_196 = arith.constant 0 : i32
      %dma_start3A_197 = tpu.memref_slice %dma_start3A_193[%arg1, %dma_start3A_194, %dma_start3A_195, %dma_start3A_196] : memref<16x4x40x128xi32, #tpu.memory_space<hbm>> -> memref<1x4x40x128xi32, #tpu.memory_space<hbm>>
      %dma_start3A_198 = tpu.memref_squeeze %dma_start3A_197 : memref<1x4x40x128xi32, #tpu.memory_space<hbm>> -> memref<4x40x128xi32, #tpu.memory_space<hbm>>
      %dma_start3A_199 = arith.constant 0 : i32
      %dma_start3A_200 = arith.constant 0 : i32
      %dma_start3A_201 = tpu.memref_slice %dma_start3A_198[%run_scoped3A_138, %dma_start3A_199, %dma_start3A_200] : memref<4x40x128xi32, #tpu.memory_space<hbm>> -> memref<1x40x128xi32, #tpu.memory_space<hbm>>
      %dma_start3A_202 = tpu.memref_squeeze %dma_start3A_201 : memref<1x40x128xi32, #tpu.memory_space<hbm>> -> memref<40x128xi32, #tpu.memory_space<hbm>>
      tpu.enqueue_dma source(%dma_start3A_202 : memref<40x128xi32, #tpu.memory_space<hbm>>) target(%arg5 : memref<40x128xi32, #tpu.memory_space<vmem>>) target_semaphore(%run_scoped3A_173 : memref<!tpu.dma_semaphore, #tpu.memory_space<semaphore_mem>>)
      %dma_wait3A = arith.constant 0 : i32
      %dma_wait3A_203 = arith.constant 0 : i32
      %dma_wait3A_204 = arith.constant 0 : i32
      %dma_wait3A_205 = arith.constant 0 : i32
      %dma_wait3A_206 = tpu.memref_slice %arg2[%add3A_131, %dma_wait3A, %dma_wait3A_203, %dma_wait3A_204, %dma_wait3A_205] : memref<6x16x4x40x128xi32, #tpu.memory_space<hbm>> -> memref<1x16x4x40x128xi32, #tpu.memory_space<hbm>>
      %dma_wait3A_207 = tpu.memref_squeeze %dma_wait3A_206 : memref<1x16x4x40x128xi32, #tpu.memory_space<hbm>> -> memref<16x4x40x128xi32, #tpu.memory_space<hbm>>
      %dma_wait3A_208 = arith.constant 0 : i32
      %dma_wait3A_209 = arith.constant 0 : i32
      %dma_wait3A_210 = arith.constant 0 : i32
      %dma_wait3A_211 = tpu.memref_slice %dma_wait3A_207[%arg1, %dma_wait3A_208, %dma_wait3A_209, %dma_wait3A_210] : memref<16x4x40x128xi32, #tpu.memory_space<hbm>> -> memref<1x4x40x128xi32, #tpu.memory_space<hbm>>
      %dma_wait3A_212 = tpu.memref_squeeze %dma_wait3A_211 : memref<1x4x40x128xi32, #tpu.memory_space<hbm>> -> memref<4x40x128xi32, #tpu.memory_space<hbm>>
      %dma_wait3A_213 = arith.constant 0 : i32
      %dma_wait3A_214 = arith.constant 0 : i32
      %dma_wait3A_215 = tpu.memref_slice %dma_wait3A_212[%run_scoped3A_138, %dma_wait3A_213, %dma_wait3A_214] : memref<4x40x128xi32, #tpu.memory_space<hbm>> -> memref<1x40x128xi32, #tpu.memory_space<hbm>>
      %dma_wait3A_216 = tpu.memref_squeeze %dma_wait3A_215 : memref<1x40x128xi32, #tpu.memory_space<hbm>> -> memref<40x128xi32, #tpu.memory_space<hbm>>
      %dma_wait3A_217 = arith.constant 0 : i32
      %dma_wait3A_218 = arith.constant 0 : i32
      %dma_wait3A_219 = arith.constant 0 : i32
      %dma_wait3A_220 = arith.constant 0 : i32
      %dma_wait3A_221 = tpu.memref_slice %arg2[%add3A_131, %dma_wait3A_217, %dma_wait3A_218, %dma_wait3A_219, %dma_wait3A_220] : memref<6x16x4x40x128xi32, #tpu.memory_space<hbm>> -> memref<1x16x4x40x128xi32, #tpu.memory_space<hbm>>
      %dma_wait3A_222 = tpu.memref_squeeze %dma_wait3A_221 : memref<1x16x4x40x128xi32, #tpu.memory_space<hbm>> -> memref<16x4x40x128xi32, #tpu.memory_space<hbm>>
      %dma_wait3A_223 = arith.constant 0 : i32
      %dma_wait3A_224 = arith.constant 0 : i32
      %dma_wait3A_225 = arith.constant 0 : i32
      %dma_wait3A_226 = tpu.memref_slice %dma_wait3A_222[%arg1, %dma_wait3A_223, %dma_wait3A_224, %dma_wait3A_225] : memref<16x4x40x128xi32, #tpu.memory_space<hbm>> -> memref<1x4x40x128xi32, #tpu.memory_space<hbm>>
      %dma_wait3A_227 = tpu.memref_squeeze %dma_wait3A_226 : memref<1x4x40x128xi32, #tpu.memory_space<hbm>> -> memref<4x40x128xi32, #tpu.memory_space<hbm>>
      %dma_wait3A_228 = arith.constant 0 : i32
      %dma_wait3A_229 = arith.constant 0 : i32
      %dma_wait3A_230 = tpu.memref_slice %dma_wait3A_227[%run_scoped3A_138, %dma_wait3A_228, %dma_wait3A_229] : memref<4x40x128xi32, #tpu.memory_space<hbm>> -> memref<1x40x128xi32, #tpu.memory_space<hbm>>
      %dma_wait3A_231 = tpu.memref_squeeze %dma_wait3A_230 : memref<1x40x128xi32, #tpu.memory_space<hbm>> -> memref<40x128xi32, #tpu.memory_space<hbm>>
      tpu.wait_dma2 semaphore(%run_scoped3A_173 : memref<!tpu.dma_semaphore, #tpu.memory_space<semaphore_mem>>) src(%dma_wait3A_231 : memref<40x128xi32, #tpu.memory_space<hbm>>) dst(%arg5 : memref<40x128xi32, #tpu.memory_space<vmem>>)
      tpu.yield
    }) : () -> ()
    %scan3A_139 = arith.constant 0 : i32
    %scan3A_140 = arith.constant 0 : i32
    %scan3A_141 = arith.constant 40 : i32
    %scan3A_142 = arith.addi %scan3A_140, %scan3A_141 : i32
    %scan3A_143 = arith.constant 1 : i32
    scf.for %scan3A_173 = %scan3A_140 to %scan3A_142 step %scan3A_143  : i32 {
      "tpu.region"() ({
        %run_scoped3A_174 = tpu.sem_alloc : memref<!tpu.dma_semaphore, #tpu.memory_space<semaphore_mem>>
        %dma_start3A = arith.constant 0 : i32
        %dma_start3A_175 = tpu.memref_slice %arg5[%scan3A_173, %dma_start3A] : memref<40x128xi32, #tpu.memory_space<vmem>> -> memref<1x128xi32, #tpu.memory_space<vmem>>
        %dma_start3A_176 = tpu.memref_squeeze %dma_start3A_175 : memref<1x128xi32, #tpu.memory_space<vmem>> -> memref<128xi32, #tpu.memory_space<vmem>>
        %dma_start3A_177 = arith.constant 0 : i32
        %dma_start3A_178 = tpu.memref_slice %arg7[%dma_start3A_177] : memref<10112xf32, #tpu.memory_space<vmem_shared>> -> memref<10112xf32, #tpu.memory_space<vmem_shared>>
        tpu.enqueue_indirect_dma source(%arg6 : memref<128xf32, #tpu.memory_space<vmem>>) target(%dma_start3A_178 : memref<10112xf32, #tpu.memory_space<vmem_shared>>) offsets(%dma_start3A_176 : memref<128xi32, #tpu.memory_space<vmem>>) semaphore(%run_scoped3A_174 : memref<!tpu.dma_semaphore, #tpu.memory_space<semaphore_mem>>) {add = true}
        %dma_wait3A = arith.constant 0 : i32
        %dma_wait3A_179 = tpu.memref_slice %arg5[%scan3A_173, %dma_wait3A] : memref<40x128xi32, #tpu.memory_space<vmem>> -> memref<1x128xi32, #tpu.memory_space<vmem>>
        %dma_wait3A_180 = tpu.memref_squeeze %dma_wait3A_179 : memref<1x128xi32, #tpu.memory_space<vmem>> -> memref<128xi32, #tpu.memory_space<vmem>>
        %dma_wait3A_181 = arith.constant 0 : i32
        %dma_wait3A_182 = tpu.memref_slice %arg7[%dma_wait3A_181] : memref<10112xf32, #tpu.memory_space<vmem_shared>> -> memref<10112xf32, #tpu.memory_space<vmem_shared>>
        tpu.wait_indirect_dma semaphore(%run_scoped3A_174 : memref<!tpu.dma_semaphore, #tpu.memory_space<semaphore_mem>>) src(%arg6 : memref<128xf32, #tpu.memory_space<vmem>>) dst(%dma_wait3A_182 : memref<10112xf32, #tpu.memory_space<vmem_shared>>)
        tpu.yield
      }) : () -> ()
    }
    %scan3A_144 = arith.constant 40 : i32
    %run_scoped3A_145 = arith.constant 1 : i32
    "tpu.region"() ({
      %run_scoped3A_173 = tpu.sem_alloc : memref<!tpu.dma_semaphore, #tpu.memory_space<semaphore_mem>>
      %dma_start3A = arith.constant 0 : i32
      %dma_start3A_174 = arith.constant 0 : i32
      %dma_start3A_175 = arith.constant 0 : i32
      %dma_start3A_176 = arith.constant 0 : i32
      %dma_start3A_177 = tpu.memref_slice %arg2[%add3A_131, %dma_start3A, %dma_start3A_174, %dma_start3A_175, %dma_start3A_176] : memref<6x16x4x40x128xi32, #tpu.memory_space<hbm>> -> memref<1x16x4x40x128xi32, #tpu.memory_space<hbm>>
      %dma_start3A_178 = tpu.memref_squeeze %dma_start3A_177 : memref<1x16x4x40x128xi32, #tpu.memory_space<hbm>> -> memref<16x4x40x128xi32, #tpu.memory_space<hbm>>
      %dma_start3A_179 = arith.constant 0 : i32
      %dma_start3A_180 = arith.constant 0 : i32
      %dma_start3A_181 = arith.constant 0 : i32
      %dma_start3A_182 = tpu.memref_slice %dma_start3A_178[%arg1, %dma_start3A_179, %dma_start3A_180, %dma_start3A_181] : memref<16x4x40x128xi32, #tpu.memory_space<hbm>> -> memref<1x4x40x128xi32, #tpu.memory_space<hbm>>
      %dma_start3A_183 = tpu.memref_squeeze %dma_start3A_182 : memref<1x4x40x128xi32, #tpu.memory_space<hbm>> -> memref<4x40x128xi32, #tpu.memory_space<hbm>>
      %dma_start3A_184 = arith.constant 0 : i32
      %dma_start3A_185 = arith.constant 0 : i32
      %dma_start3A_186 = tpu.memref_slice %dma_start3A_183[%run_scoped3A_145, %dma_start3A_184, %dma_start3A_185] : memref<4x40x128xi32, #tpu.memory_space<hbm>> -> memref<1x40x128xi32, #tpu.memory_space<hbm>>
      %dma_start3A_187 = tpu.memref_squeeze %dma_start3A_186 : memref<1x40x128xi32, #tpu.memory_space<hbm>> -> memref<40x128xi32, #tpu.memory_space<hbm>>
      %dma_start3A_188 = arith.constant 0 : i32
      %dma_start3A_189 = arith.constant 0 : i32
      %dma_start3A_190 = arith.constant 0 : i32
      %dma_start3A_191 = arith.constant 0 : i32
      %dma_start3A_192 = tpu.memref_slice %arg2[%add3A_131, %dma_start3A_188, %dma_start3A_189, %dma_start3A_190, %dma_start3A_191] : memref<6x16x4x40x128xi32, #tpu.memory_space<hbm>> -> memref<1x16x4x40x128xi32, #tpu.memory_space<hbm>>
      %dma_start3A_193 = tpu.memref_squeeze %dma_start3A_192 : memref<1x16x4x40x128xi32, #tpu.memory_space<hbm>> -> memref<16x4x40x128xi32, #tpu.memory_space<hbm>>
      %dma_start3A_194 = arith.constant 0 : i32
      %dma_start3A_195 = arith.constant 0 : i32
      %dma_start3A_196 = arith.constant 0 : i32
      %dma_start3A_197 = tpu.memref_slice %dma_start3A_193[%arg1, %dma_start3A_194, %dma_start3A_195, %dma_start3A_196] : memref<16x4x40x128xi32, #tpu.memory_space<hbm>> -> memref<1x4x40x128xi32, #tpu.memory_space<hbm>>
      %dma_start3A_198 = tpu.memref_squeeze %dma_start3A_197 : memref<1x4x40x128xi32, #tpu.memory_space<hbm>> -> memref<4x40x128xi32, #tpu.memory_space<hbm>>
      %dma_start3A_199 = arith.constant 0 : i32
      %dma_start3A_200 = arith.constant 0 : i32
      %dma_start3A_201 = tpu.memref_slice %dma_start3A_198[%run_scoped3A_145, %dma_start3A_199, %dma_start3A_200] : memref<4x40x128xi32, #tpu.memory_space<hbm>> -> memref<1x40x128xi32, #tpu.memory_space<hbm>>
      %dma_start3A_202 = tpu.memref_squeeze %dma_start3A_201 : memref<1x40x128xi32, #tpu.memory_space<hbm>> -> memref<40x128xi32, #tpu.memory_space<hbm>>
      tpu.enqueue_dma source(%dma_start3A_202 : memref<40x128xi32, #tpu.memory_space<hbm>>) target(%arg5 : memref<40x128xi32, #tpu.memory_space<vmem>>) target_semaphore(%run_scoped3A_173 : memref<!tpu.dma_semaphore, #tpu.memory_space<semaphore_mem>>)
      %dma_wait3A = arith.constant 0 : i32
      %dma_wait3A_203 = arith.constant 0 : i32
      %dma_wait3A_204 = arith.constant 0 : i32
      %dma_wait3A_205 = arith.constant 0 : i32
      %dma_wait3A_206 = tpu.memref_slice %arg2[%add3A_131, %dma_wait3A, %dma_wait3A_203, %dma_wait3A_204, %dma_wait3A_205] : memref<6x16x4x40x128xi32, #tpu.memory_space<hbm>> -> memref<1x16x4x40x128xi32, #tpu.memory_space<hbm>>
      %dma_wait3A_207 = tpu.memref_squeeze %dma_wait3A_206 : memref<1x16x4x40x128xi32, #tpu.memory_space<hbm>> -> memref<16x4x40x128xi32, #tpu.memory_space<hbm>>
      %dma_wait3A_208 = arith.constant 0 : i32
      %dma_wait3A_209 = arith.constant 0 : i32
      %dma_wait3A_210 = arith.constant 0 : i32
      %dma_wait3A_211 = tpu.memref_slice %dma_wait3A_207[%arg1, %dma_wait3A_208, %dma_wait3A_209, %dma_wait3A_210] : memref<16x4x40x128xi32, #tpu.memory_space<hbm>> -> memref<1x4x40x128xi32, #tpu.memory_space<hbm>>
      %dma_wait3A_212 = tpu.memref_squeeze %dma_wait3A_211 : memref<1x4x40x128xi32, #tpu.memory_space<hbm>> -> memref<4x40x128xi32, #tpu.memory_space<hbm>>
      %dma_wait3A_213 = arith.constant 0 : i32
      %dma_wait3A_214 = arith.constant 0 : i32
      %dma_wait3A_215 = tpu.memref_slice %dma_wait3A_212[%run_scoped3A_145, %dma_wait3A_213, %dma_wait3A_214] : memref<4x40x128xi32, #tpu.memory_space<hbm>> -> memref<1x40x128xi32, #tpu.memory_space<hbm>>
      %dma_wait3A_216 = tpu.memref_squeeze %dma_wait3A_215 : memref<1x40x128xi32, #tpu.memory_space<hbm>> -> memref<40x128xi32, #tpu.memory_space<hbm>>
      %dma_wait3A_217 = arith.constant 0 : i32
      %dma_wait3A_218 = arith.constant 0 : i32
      %dma_wait3A_219 = arith.constant 0 : i32
      %dma_wait3A_220 = arith.constant 0 : i32
      %dma_wait3A_221 = tpu.memref_slice %arg2[%add3A_131, %dma_wait3A_217, %dma_wait3A_218, %dma_wait3A_219, %dma_wait3A_220] : memref<6x16x4x40x128xi32, #tpu.memory_space<hbm>> -> memref<1x16x4x40x128xi32, #tpu.memory_space<hbm>>
      %dma_wait3A_222 = tpu.memref_squeeze %dma_wait3A_221 : memref<1x16x4x40x128xi32, #tpu.memory_space<hbm>> -> memref<16x4x40x128xi32, #tpu.memory_space<hbm>>
      %dma_wait3A_223 = arith.constant 0 : i32
      %dma_wait3A_224 = arith.constant 0 : i32
      %dma_wait3A_225 = arith.constant 0 : i32
      %dma_wait3A_226 = tpu.memref_slice %dma_wait3A_222[%arg1, %dma_wait3A_223, %dma_wait3A_224, %dma_wait3A_225] : memref<16x4x40x128xi32, #tpu.memory_space<hbm>> -> memref<1x4x40x128xi32, #tpu.memory_space<hbm>>
      %dma_wait3A_227 = tpu.memref_squeeze %dma_wait3A_226 : memref<1x4x40x128xi32, #tpu.memory_space<hbm>> -> memref<4x40x128xi32, #tpu.memory_space<hbm>>
      %dma_wait3A_228 = arith.constant 0 : i32
      %dma_wait3A_229 = arith.constant 0 : i32
      %dma_wait3A_230 = tpu.memref_slice %dma_wait3A_227[%run_scoped3A_145, %dma_wait3A_228, %dma_wait3A_229] : memref<4x40x128xi32, #tpu.memory_space<hbm>> -> memref<1x40x128xi32, #tpu.memory_space<hbm>>
      %dma_wait3A_231 = tpu.memref_squeeze %dma_wait3A_230 : memref<1x40x128xi32, #tpu.memory_space<hbm>> -> memref<40x128xi32, #tpu.memory_space<hbm>>
      tpu.wait_dma2 semaphore(%run_scoped3A_173 : memref<!tpu.dma_semaphore, #tpu.memory_space<semaphore_mem>>) src(%dma_wait3A_231 : memref<40x128xi32, #tpu.memory_space<hbm>>) dst(%arg5 : memref<40x128xi32, #tpu.memory_space<vmem>>)
      tpu.yield
    }) : () -> ()
    %scan3A_146 = arith.constant 0 : i32
    %scan3A_147 = arith.constant 0 : i32
    %scan3A_148 = arith.constant 40 : i32
    %scan3A_149 = arith.addi %scan3A_147, %scan3A_148 : i32
    %scan3A_150 = arith.constant 1 : i32
    scf.for %scan3A_173 = %scan3A_147 to %scan3A_149 step %scan3A_150  : i32 {
      "tpu.region"() ({
        %run_scoped3A_174 = tpu.sem_alloc : memref<!tpu.dma_semaphore, #tpu.memory_space<semaphore_mem>>
        %dma_start3A = arith.constant 0 : i32
        %dma_start3A_175 = tpu.memref_slice %arg5[%scan3A_173, %dma_start3A] : memref<40x128xi32, #tpu.memory_space<vmem>> -> memref<1x128xi32, #tpu.memory_space<vmem>>
        %dma_start3A_176 = tpu.memref_squeeze %dma_start3A_175 : memref<1x128xi32, #tpu.memory_space<vmem>> -> memref<128xi32, #tpu.memory_space<vmem>>
        %dma_start3A_177 = arith.constant 0 : i32
        %dma_start3A_178 = tpu.memref_slice %arg7[%dma_start3A_177] : memref<10112xf32, #tpu.memory_space<vmem_shared>> -> memref<10112xf32, #tpu.memory_space<vmem_shared>>
        tpu.enqueue_indirect_dma source(%arg6 : memref<128xf32, #tpu.memory_space<vmem>>) target(%dma_start3A_178 : memref<10112xf32, #tpu.memory_space<vmem_shared>>) offsets(%dma_start3A_176 : memref<128xi32, #tpu.memory_space<vmem>>) semaphore(%run_scoped3A_174 : memref<!tpu.dma_semaphore, #tpu.memory_space<semaphore_mem>>) {add = true}
        %dma_wait3A = arith.constant 0 : i32
        %dma_wait3A_179 = tpu.memref_slice %arg5[%scan3A_173, %dma_wait3A] : memref<40x128xi32, #tpu.memory_space<vmem>> -> memref<1x128xi32, #tpu.memory_space<vmem>>
        %dma_wait3A_180 = tpu.memref_squeeze %dma_wait3A_179 : memref<1x128xi32, #tpu.memory_space<vmem>> -> memref<128xi32, #tpu.memory_space<vmem>>
        %dma_wait3A_181 = arith.constant 0 : i32
        %dma_wait3A_182 = tpu.memref_slice %arg7[%dma_wait3A_181] : memref<10112xf32, #tpu.memory_space<vmem_shared>> -> memref<10112xf32, #tpu.memory_space<vmem_shared>>
        tpu.wait_indirect_dma semaphore(%run_scoped3A_174 : memref<!tpu.dma_semaphore, #tpu.memory_space<semaphore_mem>>) src(%arg6 : memref<128xf32, #tpu.memory_space<vmem>>) dst(%dma_wait3A_182 : memref<10112xf32, #tpu.memory_space<vmem_shared>>)
        tpu.yield
      }) : () -> ()
    }
    %scan3A_151 = arith.constant 40 : i32
    %run_scoped3A_152 = arith.constant 2 : i32
    "tpu.region"() ({
      %run_scoped3A_173 = tpu.sem_alloc : memref<!tpu.dma_semaphore, #tpu.memory_space<semaphore_mem>>
      %dma_start3A = arith.constant 0 : i32
      %dma_start3A_174 = arith.constant 0 : i32
      %dma_start3A_175 = arith.constant 0 : i32
      %dma_start3A_176 = arith.constant 0 : i32
      %dma_start3A_177 = tpu.memref_slice %arg2[%add3A_131, %dma_start3A, %dma_start3A_174, %dma_start3A_175, %dma_start3A_176] : memref<6x16x4x40x128xi32, #tpu.memory_space<hbm>> -> memref<1x16x4x40x128xi32, #tpu.memory_space<hbm>>
      %dma_start3A_178 = tpu.memref_squeeze %dma_start3A_177 : memref<1x16x4x40x128xi32, #tpu.memory_space<hbm>> -> memref<16x4x40x128xi32, #tpu.memory_space<hbm>>
      %dma_start3A_179 = arith.constant 0 : i32
      %dma_start3A_180 = arith.constant 0 : i32
      %dma_start3A_181 = arith.constant 0 : i32
      %dma_start3A_182 = tpu.memref_slice %dma_start3A_178[%arg1, %dma_start3A_179, %dma_start3A_180, %dma_start3A_181] : memref<16x4x40x128xi32, #tpu.memory_space<hbm>> -> memref<1x4x40x128xi32, #tpu.memory_space<hbm>>
      %dma_start3A_183 = tpu.memref_squeeze %dma_start3A_182 : memref<1x4x40x128xi32, #tpu.memory_space<hbm>> -> memref<4x40x128xi32, #tpu.memory_space<hbm>>
      %dma_start3A_184 = arith.constant 0 : i32
      %dma_start3A_185 = arith.constant 0 : i32
      %dma_start3A_186 = tpu.memref_slice %dma_start3A_183[%run_scoped3A_152, %dma_start3A_184, %dma_start3A_185] : memref<4x40x128xi32, #tpu.memory_space<hbm>> -> memref<1x40x128xi32, #tpu.memory_space<hbm>>
      %dma_start3A_187 = tpu.memref_squeeze %dma_start3A_186 : memref<1x40x128xi32, #tpu.memory_space<hbm>> -> memref<40x128xi32, #tpu.memory_space<hbm>>
      %dma_start3A_188 = arith.constant 0 : i32
      %dma_start3A_189 = arith.constant 0 : i32
      %dma_start3A_190 = arith.constant 0 : i32
      %dma_start3A_191 = arith.constant 0 : i32
      %dma_start3A_192 = tpu.memref_slice %arg2[%add3A_131, %dma_start3A_188, %dma_start3A_189, %dma_start3A_190, %dma_start3A_191] : memref<6x16x4x40x128xi32, #tpu.memory_space<hbm>> -> memref<1x16x4x40x128xi32, #tpu.memory_space<hbm>>
      %dma_start3A_193 = tpu.memref_squeeze %dma_start3A_192 : memref<1x16x4x40x128xi32, #tpu.memory_space<hbm>> -> memref<16x4x40x128xi32, #tpu.memory_space<hbm>>
      %dma_start3A_194 = arith.constant 0 : i32
      %dma_start3A_195 = arith.constant 0 : i32
      %dma_start3A_196 = arith.constant 0 : i32
      %dma_start3A_197 = tpu.memref_slice %dma_start3A_193[%arg1, %dma_start3A_194, %dma_start3A_195, %dma_start3A_196] : memref<16x4x40x128xi32, #tpu.memory_space<hbm>> -> memref<1x4x40x128xi32, #tpu.memory_space<hbm>>
      %dma_start3A_198 = tpu.memref_squeeze %dma_start3A_197 : memref<1x4x40x128xi32, #tpu.memory_space<hbm>> -> memref<4x40x128xi32, #tpu.memory_space<hbm>>
      %dma_start3A_199 = arith.constant 0 : i32
      %dma_start3A_200 = arith.constant 0 : i32
      %dma_start3A_201 = tpu.memref_slice %dma_start3A_198[%run_scoped3A_152, %dma_start3A_199, %dma_start3A_200] : memref<4x40x128xi32, #tpu.memory_space<hbm>> -> memref<1x40x128xi32, #tpu.memory_space<hbm>>
      %dma_start3A_202 = tpu.memref_squeeze %dma_start3A_201 : memref<1x40x128xi32, #tpu.memory_space<hbm>> -> memref<40x128xi32, #tpu.memory_space<hbm>>
      tpu.enqueue_dma source(%dma_start3A_202 : memref<40x128xi32, #tpu.memory_space<hbm>>) target(%arg5 : memref<40x128xi32, #tpu.memory_space<vmem>>) target_semaphore(%run_scoped3A_173 : memref<!tpu.dma_semaphore, #tpu.memory_space<semaphore_mem>>)
      %dma_wait3A = arith.constant 0 : i32
      %dma_wait3A_203 = arith.constant 0 : i32
      %dma_wait3A_204 = arith.constant 0 : i32
      %dma_wait3A_205 = arith.constant 0 : i32
      %dma_wait3A_206 = tpu.memref_slice %arg2[%add3A_131, %dma_wait3A, %dma_wait3A_203, %dma_wait3A_204, %dma_wait3A_205] : memref<6x16x4x40x128xi32, #tpu.memory_space<hbm>> -> memref<1x16x4x40x128xi32, #tpu.memory_space<hbm>>
      %dma_wait3A_207 = tpu.memref_squeeze %dma_wait3A_206 : memref<1x16x4x40x128xi32, #tpu.memory_space<hbm>> -> memref<16x4x40x128xi32, #tpu.memory_space<hbm>>
      %dma_wait3A_208 = arith.constant 0 : i32
      %dma_wait3A_209 = arith.constant 0 : i32
      %dma_wait3A_210 = arith.constant 0 : i32
      %dma_wait3A_211 = tpu.memref_slice %dma_wait3A_207[%arg1, %dma_wait3A_208, %dma_wait3A_209, %dma_wait3A_210] : memref<16x4x40x128xi32, #tpu.memory_space<hbm>> -> memref<1x4x40x128xi32, #tpu.memory_space<hbm>>
      %dma_wait3A_212 = tpu.memref_squeeze %dma_wait3A_211 : memref<1x4x40x128xi32, #tpu.memory_space<hbm>> -> memref<4x40x128xi32, #tpu.memory_space<hbm>>
      %dma_wait3A_213 = arith.constant 0 : i32
      %dma_wait3A_214 = arith.constant 0 : i32
      %dma_wait3A_215 = tpu.memref_slice %dma_wait3A_212[%run_scoped3A_152, %dma_wait3A_213, %dma_wait3A_214] : memref<4x40x128xi32, #tpu.memory_space<hbm>> -> memref<1x40x128xi32, #tpu.memory_space<hbm>>
      %dma_wait3A_216 = tpu.memref_squeeze %dma_wait3A_215 : memref<1x40x128xi32, #tpu.memory_space<hbm>> -> memref<40x128xi32, #tpu.memory_space<hbm>>
      %dma_wait3A_217 = arith.constant 0 : i32
      %dma_wait3A_218 = arith.constant 0 : i32
      %dma_wait3A_219 = arith.constant 0 : i32
      %dma_wait3A_220 = arith.constant 0 : i32
      %dma_wait3A_221 = tpu.memref_slice %arg2[%add3A_131, %dma_wait3A_217, %dma_wait3A_218, %dma_wait3A_219, %dma_wait3A_220] : memref<6x16x4x40x128xi32, #tpu.memory_space<hbm>> -> memref<1x16x4x40x128xi32, #tpu.memory_space<hbm>>
      %dma_wait3A_222 = tpu.memref_squeeze %dma_wait3A_221 : memref<1x16x4x40x128xi32, #tpu.memory_space<hbm>> -> memref<16x4x40x128xi32, #tpu.memory_space<hbm>>
      %dma_wait3A_223 = arith.constant 0 : i32
      %dma_wait3A_224 = arith.constant 0 : i32
      %dma_wait3A_225 = arith.constant 0 : i32
      %dma_wait3A_226 = tpu.memref_slice %dma_wait3A_222[%arg1, %dma_wait3A_223, %dma_wait3A_224, %dma_wait3A_225] : memref<16x4x40x128xi32, #tpu.memory_space<hbm>> -> memref<1x4x40x128xi32, #tpu.memory_space<hbm>>
      %dma_wait3A_227 = tpu.memref_squeeze %dma_wait3A_226 : memref<1x4x40x128xi32, #tpu.memory_space<hbm>> -> memref<4x40x128xi32, #tpu.memory_space<hbm>>
      %dma_wait3A_228 = arith.constant 0 : i32
      %dma_wait3A_229 = arith.constant 0 : i32
      %dma_wait3A_230 = tpu.memref_slice %dma_wait3A_227[%run_scoped3A_152, %dma_wait3A_228, %dma_wait3A_229] : memref<4x40x128xi32, #tpu.memory_space<hbm>> -> memref<1x40x128xi32, #tpu.memory_space<hbm>>
      %dma_wait3A_231 = tpu.memref_squeeze %dma_wait3A_230 : memref<1x40x128xi32, #tpu.memory_space<hbm>> -> memref<40x128xi32, #tpu.memory_space<hbm>>
      tpu.wait_dma2 semaphore(%run_scoped3A_173 : memref<!tpu.dma_semaphore, #tpu.memory_space<semaphore_mem>>) src(%dma_wait3A_231 : memref<40x128xi32, #tpu.memory_space<hbm>>) dst(%arg5 : memref<40x128xi32, #tpu.memory_space<vmem>>)
      tpu.yield
    }) : () -> ()
    %scan3A_153 = arith.constant 0 : i32
    %scan3A_154 = arith.constant 0 : i32
    %scan3A_155 = arith.constant 40 : i32
    %scan3A_156 = arith.addi %scan3A_154, %scan3A_155 : i32
    %scan3A_157 = arith.constant 1 : i32
    scf.for %scan3A_173 = %scan3A_154 to %scan3A_156 step %scan3A_157  : i32 {
      "tpu.region"() ({
        %run_scoped3A_174 = tpu.sem_alloc : memref<!tpu.dma_semaphore, #tpu.memory_space<semaphore_mem>>
        %dma_start3A = arith.constant 0 : i32
        %dma_start3A_175 = tpu.memref_slice %arg5[%scan3A_173, %dma_start3A] : memref<40x128xi32, #tpu.memory_space<vmem>> -> memref<1x128xi32, #tpu.memory_space<vmem>>
        %dma_start3A_176 = tpu.memref_squeeze %dma_start3A_175 : memref<1x128xi32, #tpu.memory_space<vmem>> -> memref<128xi32, #tpu.memory_space<vmem>>
        %dma_start3A_177 = arith.constant 0 : i32
        %dma_start3A_178 = tpu.memref_slice %arg7[%dma_start3A_177] : memref<10112xf32, #tpu.memory_space<vmem_shared>> -> memref<10112xf32, #tpu.memory_space<vmem_shared>>
        tpu.enqueue_indirect_dma source(%arg6 : memref<128xf32, #tpu.memory_space<vmem>>) target(%dma_start3A_178 : memref<10112xf32, #tpu.memory_space<vmem_shared>>) offsets(%dma_start3A_176 : memref<128xi32, #tpu.memory_space<vmem>>) semaphore(%run_scoped3A_174 : memref<!tpu.dma_semaphore, #tpu.memory_space<semaphore_mem>>) {add = true}
        %dma_wait3A = arith.constant 0 : i32
        %dma_wait3A_179 = tpu.memref_slice %arg5[%scan3A_173, %dma_wait3A] : memref<40x128xi32, #tpu.memory_space<vmem>> -> memref<1x128xi32, #tpu.memory_space<vmem>>
        %dma_wait3A_180 = tpu.memref_squeeze %dma_wait3A_179 : memref<1x128xi32, #tpu.memory_space<vmem>> -> memref<128xi32, #tpu.memory_space<vmem>>
        %dma_wait3A_181 = arith.constant 0 : i32
        %dma_wait3A_182 = tpu.memref_slice %arg7[%dma_wait3A_181] : memref<10112xf32, #tpu.memory_space<vmem_shared>> -> memref<10112xf32, #tpu.memory_space<vmem_shared>>
        tpu.wait_indirect_dma semaphore(%run_scoped3A_174 : memref<!tpu.dma_semaphore, #tpu.memory_space<semaphore_mem>>) src(%arg6 : memref<128xf32, #tpu.memory_space<vmem>>) dst(%dma_wait3A_182 : memref<10112xf32, #tpu.memory_space<vmem_shared>>)
        tpu.yield
      }) : () -> ()
    }
    %scan3A_158 = arith.constant 40 : i32
    %run_scoped3A_159 = arith.constant 3 : i32
    "tpu.region"() ({
      %run_scoped3A_173 = tpu.sem_alloc : memref<!tpu.dma_semaphore, #tpu.memory_space<semaphore_mem>>
      %dma_start3A = arith.constant 0 : i32
      %dma_start3A_174 = arith.constant 0 : i32
      %dma_start3A_175 = arith.constant 0 : i32
      %dma_start3A_176 = arith.constant 0 : i32
      %dma_start3A_177 = tpu.memref_slice %arg2[%add3A_131, %dma_start3A, %dma_start3A_174, %dma_start3A_175, %dma_start3A_176] : memref<6x16x4x40x128xi32, #tpu.memory_space<hbm>> -> memref<1x16x4x40x128xi32, #tpu.memory_space<hbm>>
      %dma_start3A_178 = tpu.memref_squeeze %dma_start3A_177 : memref<1x16x4x40x128xi32, #tpu.memory_space<hbm>> -> memref<16x4x40x128xi32, #tpu.memory_space<hbm>>
      %dma_start3A_179 = arith.constant 0 : i32
      %dma_start3A_180 = arith.constant 0 : i32
      %dma_start3A_181 = arith.constant 0 : i32
      %dma_start3A_182 = tpu.memref_slice %dma_start3A_178[%arg1, %dma_start3A_179, %dma_start3A_180, %dma_start3A_181] : memref<16x4x40x128xi32, #tpu.memory_space<hbm>> -> memref<1x4x40x128xi32, #tpu.memory_space<hbm>>
      %dma_start3A_183 = tpu.memref_squeeze %dma_start3A_182 : memref<1x4x40x128xi32, #tpu.memory_space<hbm>> -> memref<4x40x128xi32, #tpu.memory_space<hbm>>
      %dma_start3A_184 = arith.constant 0 : i32
      %dma_start3A_185 = arith.constant 0 : i32
      %dma_start3A_186 = tpu.memref_slice %dma_start3A_183[%run_scoped3A_159, %dma_start3A_184, %dma_start3A_185] : memref<4x40x128xi32, #tpu.memory_space<hbm>> -> memref<1x40x128xi32, #tpu.memory_space<hbm>>
      %dma_start3A_187 = tpu.memref_squeeze %dma_start3A_186 : memref<1x40x128xi32, #tpu.memory_space<hbm>> -> memref<40x128xi32, #tpu.memory_space<hbm>>
      %dma_start3A_188 = arith.constant 0 : i32
      %dma_start3A_189 = arith.constant 0 : i32
      %dma_start3A_190 = arith.constant 0 : i32
      %dma_start3A_191 = arith.constant 0 : i32
      %dma_start3A_192 = tpu.memref_slice %arg2[%add3A_131, %dma_start3A_188, %dma_start3A_189, %dma_start3A_190, %dma_start3A_191] : memref<6x16x4x40x128xi32, #tpu.memory_space<hbm>> -> memref<1x16x4x40x128xi32, #tpu.memory_space<hbm>>
      %dma_start3A_193 = tpu.memref_squeeze %dma_start3A_192 : memref<1x16x4x40x128xi32, #tpu.memory_space<hbm>> -> memref<16x4x40x128xi32, #tpu.memory_space<hbm>>
      %dma_start3A_194 = arith.constant 0 : i32
      %dma_start3A_195 = arith.constant 0 : i32
      %dma_start3A_196 = arith.constant 0 : i32
      %dma_start3A_197 = tpu.memref_slice %dma_start3A_193[%arg1, %dma_start3A_194, %dma_start3A_195, %dma_start3A_196] : memref<16x4x40x128xi32, #tpu.memory_space<hbm>> -> memref<1x4x40x128xi32, #tpu.memory_space<hbm>>
      %dma_start3A_198 = tpu.memref_squeeze %dma_start3A_197 : memref<1x4x40x128xi32, #tpu.memory_space<hbm>> -> memref<4x40x128xi32, #tpu.memory_space<hbm>>
      %dma_start3A_199 = arith.constant 0 : i32
      %dma_start3A_200 = arith.constant 0 : i32
      %dma_start3A_201 = tpu.memref_slice %dma_start3A_198[%run_scoped3A_159, %dma_start3A_199, %dma_start3A_200] : memref<4x40x128xi32, #tpu.memory_space<hbm>> -> memref<1x40x128xi32, #tpu.memory_space<hbm>>
      %dma_start3A_202 = tpu.memref_squeeze %dma_start3A_201 : memref<1x40x128xi32, #tpu.memory_space<hbm>> -> memref<40x128xi32, #tpu.memory_space<hbm>>
      tpu.enqueue_dma source(%dma_start3A_202 : memref<40x128xi32, #tpu.memory_space<hbm>>) target(%arg5 : memref<40x128xi32, #tpu.memory_space<vmem>>) target_semaphore(%run_scoped3A_173 : memref<!tpu.dma_semaphore, #tpu.memory_space<semaphore_mem>>)
      %dma_wait3A = arith.constant 0 : i32
      %dma_wait3A_203 = arith.constant 0 : i32
      %dma_wait3A_204 = arith.constant 0 : i32
      %dma_wait3A_205 = arith.constant 0 : i32
      %dma_wait3A_206 = tpu.memref_slice %arg2[%add3A_131, %dma_wait3A, %dma_wait3A_203, %dma_wait3A_204, %dma_wait3A_205] : memref<6x16x4x40x128xi32, #tpu.memory_space<hbm>> -> memref<1x16x4x40x128xi32, #tpu.memory_space<hbm>>
      %dma_wait3A_207 = tpu.memref_squeeze %dma_wait3A_206 : memref<1x16x4x40x128xi32, #tpu.memory_space<hbm>> -> memref<16x4x40x128xi32, #tpu.memory_space<hbm>>
      %dma_wait3A_208 = arith.constant 0 : i32
      %dma_wait3A_209 = arith.constant 0 : i32
      %dma_wait3A_210 = arith.constant 0 : i32
      %dma_wait3A_211 = tpu.memref_slice %dma_wait3A_207[%arg1, %dma_wait3A_208, %dma_wait3A_209, %dma_wait3A_210] : memref<16x4x40x128xi32, #tpu.memory_space<hbm>> -> memref<1x4x40x128xi32, #tpu.memory_space<hbm>>
      %dma_wait3A_212 = tpu.memref_squeeze %dma_wait3A_211 : memref<1x4x40x128xi32, #tpu.memory_space<hbm>> -> memref<4x40x128xi32, #tpu.memory_space<hbm>>
      %dma_wait3A_213 = arith.constant 0 : i32
      %dma_wait3A_214 = arith.constant 0 : i32
      %dma_wait3A_215 = tpu.memref_slice %dma_wait3A_212[%run_scoped3A_159, %dma_wait3A_213, %dma_wait3A_214] : memref<4x40x128xi32, #tpu.memory_space<hbm>> -> memref<1x40x128xi32, #tpu.memory_space<hbm>>
      %dma_wait3A_216 = tpu.memref_squeeze %dma_wait3A_215 : memref<1x40x128xi32, #tpu.memory_space<hbm>> -> memref<40x128xi32, #tpu.memory_space<hbm>>
      %dma_wait3A_217 = arith.constant 0 : i32
      %dma_wait3A_218 = arith.constant 0 : i32
      %dma_wait3A_219 = arith.constant 0 : i32
      %dma_wait3A_220 = arith.constant 0 : i32
      %dma_wait3A_221 = tpu.memref_slice %arg2[%add3A_131, %dma_wait3A_217, %dma_wait3A_218, %dma_wait3A_219, %dma_wait3A_220] : memref<6x16x4x40x128xi32, #tpu.memory_space<hbm>> -> memref<1x16x4x40x128xi32, #tpu.memory_space<hbm>>
      %dma_wait3A_222 = tpu.memref_squeeze %dma_wait3A_221 : memref<1x16x4x40x128xi32, #tpu.memory_space<hbm>> -> memref<16x4x40x128xi32, #tpu.memory_space<hbm>>
      %dma_wait3A_223 = arith.constant 0 : i32
      %dma_wait3A_224 = arith.constant 0 : i32
      %dma_wait3A_225 = arith.constant 0 : i32
      %dma_wait3A_226 = tpu.memref_slice %dma_wait3A_222[%arg1, %dma_wait3A_223, %dma_wait3A_224, %dma_wait3A_225] : memref<16x4x40x128xi32, #tpu.memory_space<hbm>> -> memref<1x4x40x128xi32, #tpu.memory_space<hbm>>
      %dma_wait3A_227 = tpu.memref_squeeze %dma_wait3A_226 : memref<1x4x40x128xi32, #tpu.memory_space<hbm>> -> memref<4x40x128xi32, #tpu.memory_space<hbm>>
      %dma_wait3A_228 = arith.constant 0 : i32
      %dma_wait3A_229 = arith.constant 0 : i32
      %dma_wait3A_230 = tpu.memref_slice %dma_wait3A_227[%run_scoped3A_159, %dma_wait3A_228, %dma_wait3A_229] : memref<4x40x128xi32, #tpu.memory_space<hbm>> -> memref<1x40x128xi32, #tpu.memory_space<hbm>>
      %dma_wait3A_231 = tpu.memref_squeeze %dma_wait3A_230 : memref<1x40x128xi32, #tpu.memory_space<hbm>> -> memref<40x128xi32, #tpu.memory_space<hbm>>
      tpu.wait_dma2 semaphore(%run_scoped3A_173 : memref<!tpu.dma_semaphore, #tpu.memory_space<semaphore_mem>>) src(%dma_wait3A_231 : memref<40x128xi32, #tpu.memory_space<hbm>>) dst(%arg5 : memref<40x128xi32, #tpu.memory_space<vmem>>)
      tpu.yield
    }) : () -> ()
    %scan3A_160 = arith.constant 0 : i32
    %scan3A_161 = arith.constant 0 : i32
    %scan3A_162 = arith.constant 40 : i32
    %scan3A_163 = arith.addi %scan3A_161, %scan3A_162 : i32
    %scan3A_164 = arith.constant 1 : i32
    scf.for %scan3A_173 = %scan3A_161 to %scan3A_163 step %scan3A_164  : i32 {
      "tpu.region"() ({
        %run_scoped3A_174 = tpu.sem_alloc : memref<!tpu.dma_semaphore, #tpu.memory_space<semaphore_mem>>
        %dma_start3A = arith.constant 0 : i32
        %dma_start3A_175 = tpu.memref_slice %arg5[%scan3A_173, %dma_start3A] : memref<40x128xi32, #tpu.memory_space<vmem>> -> memref<1x128xi32, #tpu.memory_space<vmem>>
        %dma_start3A_176 = tpu.memref_squeeze %dma_start3A_175 : memref<1x128xi32, #tpu.memory_space<vmem>> -> memref<128xi32, #tpu.memory_space<vmem>>
        %dma_start3A_177 = arith.constant 0 : i32
        %dma_start3A_178 = tpu.memref_slice %arg7[%dma_start3A_177] : memref<10112xf32, #tpu.memory_space<vmem_shared>> -> memref<10112xf32, #tpu.memory_space<vmem_shared>>
        tpu.enqueue_indirect_dma source(%arg6 : memref<128xf32, #tpu.memory_space<vmem>>) target(%dma_start3A_178 : memref<10112xf32, #tpu.memory_space<vmem_shared>>) offsets(%dma_start3A_176 : memref<128xi32, #tpu.memory_space<vmem>>) semaphore(%run_scoped3A_174 : memref<!tpu.dma_semaphore, #tpu.memory_space<semaphore_mem>>) {add = true}
        %dma_wait3A = arith.constant 0 : i32
        %dma_wait3A_179 = tpu.memref_slice %arg5[%scan3A_173, %dma_wait3A] : memref<40x128xi32, #tpu.memory_space<vmem>> -> memref<1x128xi32, #tpu.memory_space<vmem>>
        %dma_wait3A_180 = tpu.memref_squeeze %dma_wait3A_179 : memref<1x128xi32, #tpu.memory_space<vmem>> -> memref<128xi32, #tpu.memory_space<vmem>>
        %dma_wait3A_181 = arith.constant 0 : i32
        %dma_wait3A_182 = tpu.memref_slice %arg7[%dma_wait3A_181] : memref<10112xf32, #tpu.memory_space<vmem_shared>> -> memref<10112xf32, #tpu.memory_space<vmem_shared>>
        tpu.wait_indirect_dma semaphore(%run_scoped3A_174 : memref<!tpu.dma_semaphore, #tpu.memory_space<semaphore_mem>>) src(%arg6 : memref<128xf32, #tpu.memory_space<vmem>>) dst(%dma_wait3A_182 : memref<10112xf32, #tpu.memory_space<vmem_shared>>)
        tpu.yield
      }) : () -> ()
    }
    %scan3A_165 = arith.constant 40 : i32
    %barrier3A_166 = arith.constant 0 : index
    tpu.barrier barrier_id(%barrier3A_166)
    %eq3A_167 = arith.constant 0 : i32
    %eq3A_168 = arith.cmpi eq, %arg1, %eq3A_167 : i32
    %convert_element_type3A_169 = arith.extui %eq3A_168 : i1 to i32
    %cond3A_170 = arith.constant 0 : i32
    %cond3A_171 = arith.cmpi ne, %convert_element_type3A_169, %cond3A_170 : i32
    scf.if %cond3A_171 {
      "tpu.region"() ({
        %run_scoped3A_173 = tpu.sem_alloc : memref<!tpu.dma_semaphore, #tpu.memory_space<semaphore_mem>>
        %dma_start3A = arith.constant 0 : i32
        %dma_start3A_174 = tpu.memref_slice %arg4[%add3A_131, %dma_start3A] : memref<6x10112xf32, #tpu.memory_space<hbm>> -> memref<1x10112xf32, #tpu.memory_space<hbm>>
        %dma_start3A_175 = tpu.memref_squeeze %dma_start3A_174 : memref<1x10112xf32, #tpu.memory_space<hbm>> -> memref<10112xf32, #tpu.memory_space<hbm>>
        tpu.enqueue_dma source(%arg7 : memref<10112xf32, #tpu.memory_space<vmem_shared>>) target(%dma_start3A_175 : memref<10112xf32, #tpu.memory_space<hbm>>) target_semaphore(%run_scoped3A_173 : memref<!tpu.dma_semaphore, #tpu.memory_space<semaphore_mem>>)
        %dma_wait3A = arith.constant 0 : i32
        %dma_wait3A_176 = tpu.memref_slice %arg4[%add3A_131, %dma_wait3A] : memref<6x10112xf32, #tpu.memory_space<hbm>> -> memref<1x10112xf32, #tpu.memory_space<hbm>>
        %dma_wait3A_177 = tpu.memref_squeeze %dma_wait3A_176 : memref<1x10112xf32, #tpu.memory_space<hbm>> -> memref<10112xf32, #tpu.memory_space<hbm>>
        tpu.wait_dma2 semaphore(%run_scoped3A_173 : memref<!tpu.dma_semaphore, #tpu.memory_space<semaphore_mem>>) src(%arg7 : memref<10112xf32, #tpu.memory_space<vmem_shared>>) dst(%dma_wait3A_177 : memref<10112xf32, #tpu.memory_space<hbm>>)
        tpu.yield
      }) : () -> ()
    } else {
    }
    %barrier3A_172 = arith.constant 0 : index
    tpu.barrier barrier_id(%barrier3A_172)
    return
  }
}

</mosaic_0001>

<sc_bundles>
// kernel: _sc_degrees.3.cloned.1.call-start
scs
__scs_entry_jumppad:
0x0: {  	(pc) =	sbr.rel $0x88, $3  }
0x1: {  	(tag) =	ssettag $0x0;
	lr =	simm.s32 $0x1  }
0x2: {  	[smem:$0x3F9F] =	sst lr;
	_ =	strace $0xD0000000  }
0x3: {  	_ = 	snop  }
0x4: {  	_ = 	snop  }
0x5: {  	_ = 	snop  }
0x6: {  	_ = 	snop  }
0x7: {  	_ = 	snop  }
__scs_overlays_trampoline_lowered:
0x8: {  	[smem:$0x3FAE] =	sst s0  }
0x9: {  	[smem:$0x3FAF] =	sst s1  }
0xa: {  	[smem:$0x3FB0] =	sst s2  }
0xb: {  	[smem:$0x3FB1] =	sst s3  }
0xc: {  	[smem:$0x3FB2] =	sst s4  }
0xd: {  	[smem:$0x3FB3] =	sst s5  }
0xe: {  	[smem:$0x3FB4] =	sst s6  }
0xf: {  	[smem:$0x3FB5] =	sst s7  }
0x10: {  	[smem:$0x3FB6] =	sst s8  }
0x11: {  	[smem:$0x3FB7] =	sst s9;
	s0 =	simm.s32 @!p0 $0x0  }
0x12: {  	s1 =	sld [smem:$0x3F9D];
	s0 =	simm.s32 @p0 $0x1  }
0x13: {  	[smem:$0x3FB8] =	sst s0;
	s0 =	simm.s32 @!p1 $0x0  }
0x14: {  	s2 =	sld [smem:$0x3F9C];
	s0 =	simm.s32 @p1 $0x1  }
0x15: {  	[smem:$0x3FB9] =	sst s0;
	s0 =	simm.s32 @!p2 $0x0  }
0x16: {  	s3 =	sld [smem:$0x3FDB];
	s0 =	simm.s32 @p2 $0x1  }
0x17: {  	s4 =	simm.s32 $0x1BF5;
	[smem:$0x3FBB] =	sst s0  }
0x18: {  	s0 =	sld [smem:$0x3F9E];
	_ =	swait.ge [sflag:s4], $0x0  }
0x19: {  	s7 =	sld [smem:$0x3F9F]  }
0x1a: {  	s8 =	sadd.s32 $0xFFFFE003, lr  }
0x1b: {  	s9 =	sadd.s32 $0xFFFFFEF7, lr;
	s5 =	simm.s32 $0xFFFFFFFF;
	p2 =	slt.u32 s8, $0xFFFFF086  }
0x1c: {  	p1 =	slt.u32 s9, $0xF7A;
	s5 =	simm.s32 @!p2 $0x0  }
0x1d: {  	s5 =	simm.s32 @p1 $0x1;
	p0 =	seq.s32 s7, s2  }
0x1e: {  	s7 =	smul.u32 @!p0 $0xF7A, s2;
	p2 =	seq.s32 @!p0 s5, $0x0  }
0x1f: {  	s9 =	smul.u32 $0xF7A, s1;
	s8 =	simm.s32 @!p0 $0x1BF5;
	p2 =	por !p2, p0  }
0x20: {  	[sflag:s8] =	ssyncset.s32 @!p0 $0xFFFFF086;
	s6 =	sadd.s32 @!p0 s3, s7;
	s7 =	simm.s32 @!p0 $0x108  }
0x21: {  	s3 =	sadd.s32 s3, s9;
	s6 =	sadd.s32 @!p0 $0x88, s6;
	s7 =	simm.s32 @p2 $0x1082  }
0x22: {  	[simem:s7], [sflag:s8] =	dma.local @!p0 [hbm:s6], $0xF7A  }
0x23: {  	s9 =	sor.u32 $0xD0000000, s2;
	s6 =	simm.s32 $0x108;
	_ =	swait.ge @!p0 [sflag:s8], $0x0  }
0x24: {  	s3 =	sadd.s32 $0x88, s3;
	s6 =	simm.s32 @!p1 $0x1082;
	[sflag:s4] =	ssyncset.s32 $0xFFFFF086  }
0x25: {  	[simem:s6], [sflag:s4] =	dma.local [hbm:s3], $0xF7A  }
0x26: {  	[smem:$0x3F9F] =	sst s1;
	(tag) =	ssettag s2;
	_ =	strace s9  }
0x27: {  	s1 =	sld [smem:$0x3FAF]  }
0x28: {  	s2 =	sld [smem:$0x3FB0]  }
0x29: {  	s4 =	sld [smem:$0x3FB2]  }
0x2a: {  	p0 =	seq.s32 s5, $0x0;
	s5 =	sld [smem:$0x3FB3]  }
0x2b: {  	s6 =	sld [smem:$0x3FB4]  }
0x2c: {  	s7 =	sld [smem:$0x3FB5]  }
0x2d: {  	s3 =	simm.s32 $0x108;
	s8 =	sld [smem:$0x3FB6]  }
0x2e: {  	s3 =	simm.s32 @!p0 $0x1082;
	s9 =	sld [smem:$0x3FB7]  }
0x2f: {  	lr =	sadd.s32 s0, s3;
	s0 =	sld [smem:$0x3FAE]  }
0x30: {  	s3 =	sld [smem:$0x3FB1]  }
0x31: {  	[smem:$0x3FBA] =	sst s10  }
0x32: {  	s10 =	sld [smem:$0x3FB8];
	_ =	sdelay $0x3  }
0x33: {  	p0 =	seq.s32 s10, $0x1;
	s10 =	sld [smem:$0x3FBA];
	_ =	sdelay $0x3  }
0x34: {  	[smem:$0x3FBA] =	sst s10  }
0x35: {  	s10 =	sld [smem:$0x3FB9];
	_ =	sdelay $0x3  }
0x36: {  	p1 =	seq.s32 s10, $0x1;
	s10 =	sld [smem:$0x3FBA];
	_ =	sdelay $0x3  }
0x37: {  	[smem:$0x3FBA] =	sst s10  }
0x38: {  	s10 =	sld [smem:$0x3FBB]  }
0x39: {  	_ = 	snop;
	(pc) =	sbr.ind lr, $3  }
0x3a: {  	_ = 	snop  }
0x3b: {  	_ = 	snop  }
0x3c: {  	p2 =	seq.s32 s10, $0x1;
	s10 =	sld [smem:$0x3FBA]  }
0x3d: {  	_ =	shalt  }
0x3e: {  	_ =	shalt  }
0x3f: {  	_ =	shalt  }
0x40: {  	_ =	shalt  }
0x41: {  	_ =	shalt  }
0x42: {  	_ =	shalt  }
0x43: {  	_ =	shalt  }
0x44: {  	_ =	shalt  }
0x45: {  	_ =	shalt  }
0x46: {  	_ =	shalt  }
0x47: {  	_ =	shalt  }
0x48: {  	_ =	shalt  }
0x49: {  	_ =	shalt  }
0x4a: {  	_ =	shalt  }
0x4b: {  	_ =	shalt  }
0x4c: {  	_ =	shalt  }
0x4d: {  	_ =	shalt  }
0x4e: {  	_ =	shalt  }
0x4f: {  	_ =	shalt  }
0x50: {  	_ =	shalt  }
0x51: {  	_ =	shalt  }
0x52: {  	_ =	shalt  }
0x53: {  	_ =	shalt  }
0x54: {  	_ =	shalt  }
0x55: {  	_ =	shalt  }
0x56: {  	_ =	shalt  }
0x57: {  	_ =	shalt  }
0x58: {  	_ =	shalt  }
0x59: {  	_ =	shalt  }
0x5a: {  	_ =	shalt  }
0x5b: {  	_ =	shalt  }
0x5c: {  	_ =	shalt  }
0x5d: {  	_ =	shalt  }
0x5e: {  	_ =	shalt  }
0x5f: {  	_ =	shalt  }
0x60: {  	_ =	shalt  }
0x61: {  	_ =	shalt  }
0x62: {  	_ =	shalt  }
0x63: {  	_ =	shalt  }
0x64: {  	_ =	shalt  }
0x65: {  	_ =	shalt  }
0x66: {  	_ =	shalt  }
0x67: {  	_ =	shalt  }
0x68: {  	_ =	shalt  }
0x69: {  	_ =	shalt  }
0x6a: {  	_ =	shalt  }
0x6b: {  	_ =	shalt  }
0x6c: {  	_ =	shalt  }
0x6d: {  	_ =	shalt  }
0x6e: {  	_ =	shalt  }
0x6f: {  	_ =	shalt  }
0x70: {  	_ =	shalt  }
0x71: {  	_ =	shalt  }
0x72: {  	_ =	shalt  }
0x73: {  	_ =	shalt  }
0x74: {  	_ =	shalt  }
0x75: {  	_ =	shalt  }
0x76: {  	_ =	shalt  }
0x77: {  	_ =	shalt  }
0x78: {  	_ =	shalt  }
0x79: {  	_ =	shalt  }
0x7a: {  	_ =	shalt  }
0x7b: {  	_ =	shalt  }
0x7c: {  	_ =	shalt  }
0x7d: {  	_ =	shalt  }
0x7e: {  	_ =	shalt  }
0x7f: {  	_ =	shalt  }
0x80: {  	_ =	shalt  }
0x81: {  	_ =	shalt  }
0x82: {  	_ =	shalt  }
0x83: {  	_ =	shalt  }
0x84: {  	_ =	shalt  }
0x85: {  	_ =	shalt  }
0x86: {  	_ =	shalt  }
0x87: {  	_ =	shalt  }
.Lfunc_end0:
.L_simem_size_0:
called_computation_lowered:
.L_overlay_start_0:
0x88: {  	s2 =	sld [smem:$0x3FD9]  }
0x89: {  	s3 =	sld [smem:$0x3FFE];
	_ =	sdelay $0x1  }
0x8a: {  	s1 =	srdreg.scid  }
0x8b: {  	s0 =	sand.u32 $0x1, s1  }
0x8c: {  	s18 =	sshll.u32 s0, $0xA;
	s2 =	sadd.s32 s3, s2  }
0x8d: {  	s2 =	sadd.s32 s2, s18  }
0x8e: {  	[smem:$0x3FC6] =	sst s2  }
0x8f: {  	_ = 	snop  }
0x90: {  	s2 =	sld [smem:$0x3FC9]  }
0x91: {  	s19 =	sld [smem:$0x3FC8]  }
0x92: {  	s4 =	sld [smem:$0x3FD0];
	(tm) =	ssettm $0x1  }
0x93: {  	s5 =	sld [smem:$0x3FFB];
	_ =	sdelay $0x3  }
0x94: {  	_ =	strace s5  }
0x95: {  	s5 =	sld [smem:$0x3FFC];
	_ =	sdelay $0x3  }
0x96: {  	_ =	strace s5  }
0x97: {  	s5 =	sld [smem:$0x3FFD];
	_ =	sdelay $0x3  }
0x98: {  	_ =	strace s5  }
0x99: {  	_ =	strace $0x8FFFFFFF  }
0x9a: {  	s20 =	sld [smem:$0x3FDB];
	_ =	sdelay $0x1  }
0x9b: {  	s6 =	simm.s32 $_scs_section_size  }
0x9c: {  	s7 =	simm.s32 $_size__tile_overlayer_lowered;
	s8 =	simm.s32 $_tile_overlayer_lowered  }
0x9d: {  	s23 =	simm.s32 $0x1BFF;
	s22 =	sshll.u32 s8, $0x1;
	s5 =	sadd.s32 s6, s20  }
0x9e: {  	s9 =	simm.s32 $0x0;
	s21 =	sshll.u32 s7, $0x1;
	s7 =	sadd.s32 s22, s5  }
0x9f: {  	[timem:s9], [sflag:s23] =	dma.local [hbm:s7], s21  }
0xa0: {  	_ =	swait.ge [sflag:s23], s21  }
0xa1: {  	s6 =	ssub.s32 $0x0, s21;
	[sflag:s23] =	ssyncset.done $0x0  }
0xa2: {  	[sflag:s23] =	ssyncadd.s32 s6;
	_ =	sdelay $0x1  }
0xa3: {  	s24 =	simm.s32 $0x1B8B  }
0xa4: {  	_ =	swait.ge [sflag:s24], $0x1  }
0xa5: {  	[sflag:s24] =	ssyncset.done $0x0  }
0xa6: {  	s25 =	simm.s32 $0x1B8E;
	[sflag:s24] =	ssyncadd.s32 $0xFFFFFFFF  }
0xa7: {  	s26 =	simm.s32 $execute0_lowered;
	[smem:$0x3FD2] =	sst s25  }
0xa8: {  	s6 =	sshll.u32 s26, $0x1;
	_ =	strace $0x80000046;
	[dreg:$0x1] =	wrdreg $0xFFFFFFFF  }
0xa9: {  	s28 =	simm.s32 $_size_execute0_lowered;
	s5 =	sadd.s32 s5, s6;
	[dreg:$0x0] =	wrdreg $0x0  }
0xaa: {  	s6 =	sshll.u32 s28, $0x1;
	[dreg:$0x2] =	wrdreg s5  }
0xab: {  	[dreg:$0x3] =	wrdreg s6  }
0xac: {  	[dreg:$0x4] =	wrdreg $0xC0  }
0xad: {  	_ =	task [dreg:s9], $0x5FFFF  }
0xae: {  	[dreg:$0x1] =	wrdreg $0xFFFFFFFF  }
0xaf: {  	[dreg:$0x0] =	wrdreg $0x60  }
0xb0: {  	[dreg:$0x2] =	wrdreg s2  }
0xb1: {  	[dreg:$0x3] =	wrdreg s19  }
0xb2: {  	[dreg:$0x4] =	wrdreg s4  }
0xb3: {  	[dreg:$0x5] =	wrdreg $0x14800  }
0xb4: {  	[dreg:$0x6] =	wrdreg $0x9  }
0xb5: {  	_ =	task.clear_ibuf [dreg:s9], $0x7FFFF;
	_ =	strace $0x90000046  }
0xb6: {  	s29 =	simm.s32 $0x9;
	_ =	strace $0x80000048  }
0xb7: {  	_ =	swait.ge [sflag:s29], $0x1  }
0xb8: {  	[sflag:s29] =	ssyncadd.s32 $0xFFFFFFFF  }
0xb9: {  	_ =	strace $0x90000048  }
0xba: {  	_ =	sfence  }
0xbb: {  	s30 =	sld [smem:$0x0];
	_ =	sdelay $0x2  }
0xbc: {  	s31 =	sshll.u32 s1, $0xD;
	s1 =	sshrl.u32 s1, $0x2  }
0xbd: {  	s3 =	sand.u32 $0x4000, s31;
	s1 =	sadd.s32 s1, s30  }
0xbe: {  	s0 =	sor.u32 s3, s0;
	s1 =	sshll.u32 s1, $0x11  }
0xbf: {  	s0 =	sor.u32 s1, s0  }
0xc0: {  	s0 =	sadd.s32 $0x8F2B, s0  }
0xc1: {  	[sflag:s0] =	ssyncadd.remote.s32 $0x1  }
0xc2: {  	_ =	sfence.sel $0xFFFF  }
0xc3: {  	[dreg:$0x0] =	wrdreg $0xFFFFFFFF;
	(pc) =	sbr.abs _section_cstart, $3  }
0xc4: {  	[dreg:$0x1] =	wrdreg $0xFFFFFFFF  }
0xc5: {  	_ =	task.clear_ibuf [dreg:s9], $0x2FFFF;
	_ =	strace $0x9FFFFFFF  }
0xc6: {  	(tm) =	ssettm $0x7FFFFFFF  }
0xc7: {  	_ =	shalt  }
tec
execute0_lowered:
.L_overlay_start_1:
0x0: {  	(tag) =	ssettag $0x1  }
0x1: {  	s5 =	rddreg [dreg:$0x0]  }
0x2: {  	s1 =	rddreg [dreg:$0x1]  }
0x3: {  	s6 =	rddreg [dreg:$0x2]  }
0x4: {  	s2 =	rddreg [dreg:$0x3]  }
0x5: {  	s4 =	srdreg.scid;
	s15 =	stileid.u32  }
0x6: {  	s0 =	rddreg [dreg:$0x4];
	s4 =	sand.u32 $0x1, s4;
	s16 =	smul.u32 $0xA00, s15  }
0x7: {  	s3 =	simm.s32 $0x0;
	s12 =	simm.s32 $0x1400;
	s7 =	smul.u32 $0x3, s4  }
0x8: {  	[smem:$0x7FF] =	sst s3;
	p0 =	sne.s32 s15, $0x0;
	s8 =	smul.u32 $0x1E000, s4  }
0x9: {  	p1 =	seq.s32 s15, $0x0;
	s9 =	ssub.s32 $0x2, s4;
	s4 =	smul.u32 $0x30, s4  }
0xa: {  	_ =	strace $0x80000047;
	s10 =	sshrl.u32 s9, $0x1;
	s11 =	sadd.s32 $0x1, s7  }
0xb: {  	s9 =	ssub.s32 s9, s10;
	s30 =	sadd.s32 s5, s8;
	s4 =	sadd.s32 s6, s4  }
0xc: {  	s7 =	sshll.u32 s7, $0x4;
	s8 =	sshrl.u32 @!p0 s2, $0x3;
	s31 =	smul.u32 $0xA000, s11  }
0xd: {  	s10 =	simm.s32 $0x1;
	s11 =	sshll.u32 s11, $0x4;
	s18 =	sadd.s32 $0x14000, s30  }
0xe: {  	s17 =	sadd.s32 s5, s31;
	s5 =	sadd.s32 s6, s11;
	s6 =	sadd.s32 s6, s7  }
0xf: {  	s7 =	smax.u32 s9, $0x1;
	s9 =	sadd.s32 s16, s30;
	s11 =	simm.s32 $0x80  }
0x10: {  	s6 =	sadd.s32 $0x20, s6;
	s13 =	sadd.s32 $0x280, s9;
	s14 =	sadd.s32 $0x500, s9  }
0x11: {  	v0 =	vimm.f32 $1.000000000e+00;
	s15 =	sadd.s32 s16, s17;
	s16 =	sadd.s32 s16, s18;
	s17 =	simm.s32 $0x0  }
.LBB2_1:
0x12: {  	[tilespmem:$0x1400] =	vst v0  }
0x13: {  	[tilespmem:$0x1410] =	vst v0  }
0x14: {  	[tilespmem:$0x1420] =	vst v0  }
0x15: {  	[tilespmem:$0x1430] =	vst v0  }
0x16: {  	[tilespmem:$0x1440] =	vst v0  }
0x17: {  	[tilespmem:$0x1450] =	vst v0  }
0x18: {  	[tilespmem:$0x1460] =	vst v0  }
0x19: {  	[tilespmem:$0x1470] =	vst v0;
	s18 =	simm.s32 @!p0 $0x1C01  }
0x1a: {  	[spmem:s8], [sflag:s18] =	dma.local @!p0 [hbm:s1], $0x4F0  }
0x1b: {  	s18 =	simm.s32 @!p0 $0x1  }
0x1c: {  	_ =	swait.ge @!p0 [sflag:s18], $0x4F0  }
0x1d: {  	[sflag:s18] =	ssyncset.done @!p0 $0x0  }
0x1e: {  	[sflag:s18] =	ssyncadd.s32 @!p0 $0xFFFFFB10  }
0x1f: {  	[bflag:$0x0] =	sbarrier.arrive $0xFFFF  }
0x20: {  	[tilespmem:s3], [sflag:$0x1] =	stream.linear.gather [hbm4b:s9+s3], $0x1400, $0x38;
	[tilespmem:$0x16F8] =	vst v63  }
0x21: {  	_ =	swait.ge [sflag:s10], $0x1400  }
0x22: {  	[sflag:s10] =	ssyncset.done $0x0  }
0x23: {  	s31 =	simm.s32 $0x0;
	[sflag:s10] =	ssyncadd.s32 $0xFFFFEC00  }
0x24: {  	[spmem:s2] =	stream.indirect.scatter.add.f32 [tilespmem:s12], [sflag:$0x1], $0x1, s31, s11, $0xb8;
	[tilespmem:$0x16F8] =	vst v63  }
0x25: {  	_ =	swait.ge [sflag:s10], $0x80  }
0x26: {  	s18 =	simm.s32 $0x200;
	[sflag:s10] =	ssyncset.done $0x0  }
.LBB2_2:
0x27: {  	s19 =	sshra.s32 s18, $0x2;
	[sflag:s10] =	ssyncadd.s32 $0xFFFFFF80;
	p2 =	sne.s32 s18, $0x4E00  }
0x28: {  	[spmem:s2] =	stream.indirect.scatter.add.f32 [tilespmem:s12], [sflag:$0x1], $0x1, s19, s11, $0xb8;
	[tilespmem:$0x16F8] =	vst v63  }
.Ltmp0:
0x29: {  	_ = 	snop;
	(pc) =	sbr.rel @p2 .LBB2_2-.Ltmp0, $4  }
0x2a: {  	_ = 	snop  }
0x2b: {  	s18 =	sadd.s32 $0x200, s18  }
0x2c: {  	_ =	swait.ge [sflag:s10], $0x80  }
0x2d: {  	[sflag:s10] =	ssyncset.done $0x0  }
0x2e: {  	[sflag:s10] =	ssyncadd.s32 $0xFFFFFF80;
	s18 =	simm.s32 $0x0  }
0x2f: {  	[tilespmem:s18], [sflag:$0x1] =	stream.linear.gather [hbm4b:s13+s18], $0x1400, $0x38;
	[tilespmem:$0x16F8] =	vst v63  }
0x30: {  	_ =	swait.ge [sflag:s10], $0x1400  }
0x31: {  	[sflag:s10] =	ssyncset.done $0x0  }
0x32: {  	s31 =	simm.s32 $0x0;
	[sflag:s10] =	ssyncadd.s32 $0xFFFFEC00  }
0x33: {  	[spmem:s2] =	stream.indirect.scatter.add.f32 [tilespmem:s12], [sflag:$0x1], $0x1, s31, s11, $0xb8;
	[tilespmem:$0x16F8] =	vst v63  }
0x34: {  	_ =	swait.ge [sflag:s10], $0x80  }
0x35: {  	s18 =	simm.s32 $0x200;
	[sflag:s10] =	ssyncset.done $0x0  }
.LBB2_4:
0x36: {  	s19 =	sshra.s32 s18, $0x2;
	[sflag:s10] =	ssyncadd.s32 $0xFFFFFF80;
	p2 =	sne.s32 s18, $0x4E00  }
0x37: {  	[spmem:s2] =	stream.indirect.scatter.add.f32 [tilespmem:s12], [sflag:$0x1], $0x1, s19, s11, $0xb8;
	[tilespmem:$0x16F8] =	vst v63  }
.Ltmp1:
0x38: {  	_ = 	snop;
	(pc) =	sbr.rel @p2 .LBB2_4-.Ltmp1, $4  }
0x39: {  	_ = 	snop  }
0x3a: {  	s18 =	sadd.s32 $0x200, s18  }
0x3b: {  	_ =	swait.ge [sflag:s10], $0x80  }
0x3c: {  	[sflag:s10] =	ssyncset.done $0x0  }
0x3d: {  	[sflag:s10] =	ssyncadd.s32 $0xFFFFFF80;
	s18 =	simm.s32 $0x0  }
0x3e: {  	[tilespmem:s18], [sflag:$0x1] =	stream.linear.gather [hbm4b:s14+s18], $0x1400, $0x38;
	[tilespmem:$0x16F8] =	vst v63  }
0x3f: {  	_ =	swait.ge [sflag:s10], $0x1400  }
0x40: {  	[sflag:s10] =	ssyncset.done $0x0  }
0x41: {  	s31 =	simm.s32 $0x0;
	[sflag:s10] =	ssyncadd.s32 $0xFFFFEC00  }
0x42: {  	[spmem:s2] =	stream.indirect.scatter.add.f32 [tilespmem:s12], [sflag:$0x1], $0x1, s31, s11, $0xb8;
	[tilespmem:$0x16F8] =	vst v63  }
0x43: {  	_ =	swait.ge [sflag:s10], $0x80  }
0x44: {  	s18 =	simm.s32 $0x200;
	[sflag:s10] =	ssyncset.done $0x0  }
.LBB2_6:
0x45: {  	s19 =	sshra.s32 s18, $0x2;
	[sflag:s10] =	ssyncadd.s32 $0xFFFFFF80;
	p2 =	sne.s32 s18, $0x4E00  }
0x46: {  	[spmem:s2] =	stream.indirect.scatter.add.f32 [tilespmem:s12], [sflag:$0x1], $0x1, s19, s11, $0xb8;
	[tilespmem:$0x16F8] =	vst v63  }
.Ltmp2:
0x47: {  	_ = 	snop;
	(pc) =	sbr.rel @p2 .LBB2_6-.Ltmp2, $4  }
0x48: {  	_ = 	snop  }
0x49: {  	s18 =	sadd.s32 $0x200, s18  }
0x4a: {  	_ =	swait.ge [sflag:s10], $0x80  }
0x4b: {  	[sflag:s10] =	ssyncset.done $0x0  }
0x4c: {  	[sflag:s10] =	ssyncadd.s32 $0xFFFFFF80;
	s18 =	sadd.s32 $0x780, s9;
	s19 =	simm.s32 $0x0  }
0x4d: {  	[tilespmem:s19], [sflag:$0x1] =	stream.linear.gather [hbm4b:s18+s19], $0x1400, $0x38;
	[tilespmem:$0x16F8] =	vst v63  }
0x4e: {  	_ =	swait.ge [sflag:s10], $0x1400  }
0x4f: {  	[sflag:s10] =	ssyncset.done $0x0  }
0x50: {  	s31 =	simm.s32 $0x0;
	[sflag:s10] =	ssyncadd.s32 $0xFFFFEC00  }
0x51: {  	[spmem:s2] =	stream.indirect.scatter.add.f32 [tilespmem:s12], [sflag:$0x1], $0x1, s31, s11, $0xb8;
	[tilespmem:$0x16F8] =	vst v63  }
0x52: {  	_ =	swait.ge [sflag:s10], $0x80  }
0x53: {  	s18 =	simm.s32 $0x200;
	[sflag:s10] =	ssyncset.done $0x0  }
.LBB2_8:
0x54: {  	s19 =	sshra.s32 s18, $0x2;
	[sflag:s10] =	ssyncadd.s32 $0xFFFFFF80;
	p2 =	sne.s32 s18, $0x4E00  }
0x55: {  	[spmem:s2] =	stream.indirect.scatter.add.f32 [tilespmem:s12], [sflag:$0x1], $0x1, s19, s11, $0xb8;
	[tilespmem:$0x16F8] =	vst v63  }
.Ltmp3:
0x56: {  	_ = 	snop;
	(pc) =	sbr.rel @p2 .LBB2_8-.Ltmp3, $4  }
0x57: {  	_ = 	snop  }
0x58: {  	s18 =	sadd.s32 $0x200, s18  }
0x59: {  	_ =	swait.ge [sflag:s10], $0x80  }
0x5a: {  	[sflag:s10] =	ssyncset.done $0x0  }
0x5b: {  	[sflag:s10] =	ssyncadd.s32 $0xFFFFFF80  }
0x5c: {  	s18 =	sshrl.u32 @p1 s2, $0x3;
	s19 =	simm.s32 @p1 $0x1;
	s20 =	simm.s32 @p1 $0x80  }
0x5d: {  	s21 =	simm.s32 @p1 $0x10;
	s22 =	simm.s32 @p1 $0x1C01;
	[bflag:$0x0] =	sbarrier.arrive $0xFFFF  }
0x5e: {  	[hbm:s4@s20], [sflag:s22] =	dma.strided @p1 [spmem:s18@s21], $0x4F0, s19, $0x10   }
0x5f: {  	_ =	swait.ge @p1 [sflag:s19], $0x4F0  }
0x60: {  	[sflag:s19] =	ssyncset.done @p1 $0x0  }
0x61: {  	[sflag:s19] =	ssyncadd.s32 @p1 $0xFFFFFB10  }
0x62: {  	[bflag:$0x0] =	sbarrier.arrive @p1 $0xFFFF  }
0x63: {  	[spmem:s18], [sflag:s22] =	dma.local @p1 [hbm:s1], $0x4F0  }
0x64: {  	_ =	swait.ge @p1 [sflag:s19], $0x4F0  }
0x65: {  	[sflag:s19] =	ssyncset.done @p1 $0x0  }
0x66: {  	[sflag:s19] =	ssyncadd.s32 @p1 $0xFFFFFB10  }
0x67: {  	[bflag:$0x0] =	sbarrier.arrive @!p1 $0xFFFF  }
0x68: {  	s30 =	simm.s32 $0x0;
	[bflag:$0x0] =	sbarrier.arrive $0xFFFF  }
0x69: {  	[tilespmem:s30], [sflag:$0x1] =	stream.linear.gather [hbm4b:s15+s30], $0x1400, $0x38;
	[tilespmem:$0x16F8] =	vst v63  }
0x6a: {  	_ =	swait.ge [sflag:s10], $0x1400  }
0x6b: {  	[sflag:s10] =	ssyncset.done $0x0  }
0x6c: {  	s31 =	simm.s32 $0x0;
	[sflag:s10] =	ssyncadd.s32 $0xFFFFEC00  }
0x6d: {  	[spmem:s2] =	stream.indirect.scatter.add.f32 [tilespmem:s12], [sflag:$0x1], $0x1, s31, s11, $0xb8;
	[tilespmem:$0x16F8] =	vst v63  }
0x6e: {  	_ =	swait.ge [sflag:s10], $0x80  }
0x6f: {  	s19 =	simm.s32 $0x200;
	[sflag:s10] =	ssyncset.done $0x0  }
.LBB2_10:
0x70: {  	s20 =	sshra.s32 s19, $0x2;
	[sflag:s10] =	ssyncadd.s32 $0xFFFFFF80;
	p2 =	sne.s32 s19, $0x4E00  }
0x71: {  	[spmem:s2] =	stream.indirect.scatter.add.f32 [tilespmem:s12], [sflag:$0x1], $0x1, s20, s11, $0xb8;
	[tilespmem:$0x16F8] =	vst v63  }
.Ltmp4:
0x72: {  	_ = 	snop;
	(pc) =	sbr.rel @p2 .LBB2_10-.Ltmp4, $4  }
0x73: {  	_ = 	snop  }
0x74: {  	s19 =	sadd.s32 $0x200, s19  }
0x75: {  	_ =	swait.ge [sflag:s10], $0x80  }
0x76: {  	[sflag:s10] =	ssyncset.done $0x0  }
0x77: {  	[sflag:s10] =	ssyncadd.s32 $0xFFFFFF80;
	s19 =	sadd.s32 $0x280, s15;
	s20 =	simm.s32 $0x0  }
0x78: {  	[tilespmem:s20], [sflag:$0x1] =	stream.linear.gather [hbm4b:s19+s20], $0x1400, $0x38;
	[tilespmem:$0x16F8] =	vst v63  }
0x79: {  	_ =	swait.ge [sflag:s10], $0x1400  }
0x7a: {  	[sflag:s10] =	ssyncset.done $0x0  }
0x7b: {  	s31 =	simm.s32 $0x0;
	[sflag:s10] =	ssyncadd.s32 $0xFFFFEC00  }
0x7c: {  	[spmem:s2] =	stream.indirect.scatter.add.f32 [tilespmem:s12], [sflag:$0x1], $0x1, s31, s11, $0xb8;
	[tilespmem:$0x16F8] =	vst v63  }
0x7d: {  	_ =	swait.ge [sflag:s10], $0x80  }
0x7e: {  	s19 =	simm.s32 $0x200;
	[sflag:s10] =	ssyncset.done $0x0  }
.LBB2_12:
0x7f: {  	s20 =	sshra.s32 s19, $0x2;
	[sflag:s10] =	ssyncadd.s32 $0xFFFFFF80;
	p2 =	sne.s32 s19, $0x4E00  }
0x80: {  	[spmem:s2] =	stream.indirect.scatter.add.f32 [tilespmem:s12], [sflag:$0x1], $0x1, s20, s11, $0xb8;
	[tilespmem:$0x16F8] =	vst v63  }
.Ltmp5:
0x81: {  	_ = 	snop;
	(pc) =	sbr.rel @p2 .LBB2_12-.Ltmp5, $4  }
0x82: {  	_ = 	snop  }
0x83: {  	s19 =	sadd.s32 $0x200, s19  }
0x84: {  	_ =	swait.ge [sflag:s10], $0x80  }
0x85: {  	[sflag:s10] =	ssyncset.done $0x0  }
0x86: {  	[sflag:s10] =	ssyncadd.s32 $0xFFFFFF80;
	s19 =	sadd.s32 $0x500, s15;
	s20 =	simm.s32 $0x0  }
0x87: {  	[tilespmem:s20], [sflag:$0x1] =	stream.linear.gather [hbm4b:s19+s20], $0x1400, $0x38;
	[tilespmem:$0x16F8] =	vst v63  }
0x88: {  	_ =	swait.ge [sflag:s10], $0x1400  }
0x89: {  	[sflag:s10] =	ssyncset.done $0x0  }
0x8a: {  	s31 =	simm.s32 $0x0;
	[sflag:s10] =	ssyncadd.s32 $0xFFFFEC00  }
0x8b: {  	[spmem:s2] =	stream.indirect.scatter.add.f32 [tilespmem:s12], [sflag:$0x1], $0x1, s31, s11, $0xb8;
	[tilespmem:$0x16F8] =	vst v63  }
0x8c: {  	_ =	swait.ge [sflag:s10], $0x80  }
0x8d: {  	s19 =	simm.s32 $0x200;
	[sflag:s10] =	ssyncset.done $0x0  }
.LBB2_14:
0x8e: {  	s20 =	sshra.s32 s19, $0x2;
	[sflag:s10] =	ssyncadd.s32 $0xFFFFFF80;
	p2 =	sne.s32 s19, $0x4E00  }
0x8f: {  	[spmem:s2] =	stream.indirect.scatter.add.f32 [tilespmem:s12], [sflag:$0x1], $0x1, s20, s11, $0xb8;
	[tilespmem:$0x16F8] =	vst v63  }
.Ltmp6:
0x90: {  	_ = 	snop;
	(pc) =	sbr.rel @p2 .LBB2_14-.Ltmp6, $4  }
0x91: {  	_ = 	snop  }
0x92: {  	s19 =	sadd.s32 $0x200, s19  }
0x93: {  	_ =	swait.ge [sflag:s10], $0x80  }
0x94: {  	[sflag:s10] =	ssyncset.done $0x0  }
0x95: {  	[sflag:s10] =	ssyncadd.s32 $0xFFFFFF80;
	s19 =	sadd.s32 $0x780, s15;
	s20 =	simm.s32 $0x0  }
0x96: {  	[tilespmem:s20], [sflag:$0x1] =	stream.linear.gather [hbm4b:s19+s20], $0x1400, $0x38;
	[tilespmem:$0x16F8] =	vst v63  }
0x97: {  	_ =	swait.ge [sflag:s10], $0x1400  }
0x98: {  	[sflag:s10] =	ssyncset.done $0x0  }
0x99: {  	s31 =	simm.s32 $0x0;
	[sflag:s10] =	ssyncadd.s32 $0xFFFFEC00  }
0x9a: {  	[spmem:s2] =	stream.indirect.scatter.add.f32 [tilespmem:s12], [sflag:$0x1], $0x1, s31, s11, $0xb8;
	[tilespmem:$0x16F8] =	vst v63  }
0x9b: {  	_ =	swait.ge [sflag:s10], $0x80  }
0x9c: {  	s19 =	simm.s32 $0x200;
	[sflag:s10] =	ssyncset.done $0x0  }
.LBB2_16:
0x9d: {  	s20 =	sshra.s32 s19, $0x2;
	[sflag:s10] =	ssyncadd.s32 $0xFFFFFF80;
	p2 =	sne.s32 s19, $0x4E00  }
0x9e: {  	[spmem:s2] =	stream.indirect.scatter.add.f32 [tilespmem:s12], [sflag:$0x1], $0x1, s20, s11, $0xb8;
	[tilespmem:$0x16F8] =	vst v63  }
.Ltmp7:
0x9f: {  	_ = 	snop;
	(pc) =	sbr.rel @p2 .LBB2_16-.Ltmp7, $4  }
0xa0: {  	_ = 	snop  }
0xa1: {  	s19 =	sadd.s32 $0x200, s19  }
0xa2: {  	_ =	swait.ge [sflag:s10], $0x80  }
0xa3: {  	[sflag:s10] =	ssyncset.done $0x0  }
0xa4: {  	[sflag:s10] =	ssyncadd.s32 $0xFFFFFF80;
	s19 =	simm.s32 @p1 $0x1;
	s20 =	simm.s32 @p1 $0x80  }
0xa5: {  	s21 =	simm.s32 @p1 $0x10;
	s22 =	simm.s32 @p1 $0x1C01;
	[bflag:$0x0] =	sbarrier.arrive $0xFFFF  }
0xa6: {  	[hbm:s5@s20], [sflag:s22] =	dma.strided @p1 [spmem:s18@s21], $0x4F0, s19, $0x10   }
0xa7: {  	_ =	swait.ge @p1 [sflag:s19], $0x4F0  }
0xa8: {  	[sflag:s19] =	ssyncset.done @p1 $0x0  }
0xa9: {  	[sflag:s19] =	ssyncadd.s32 @p1 $0xFFFFFB10  }
0xaa: {  	[bflag:$0x0] =	sbarrier.arrive @p1 $0xFFFF  }
0xab: {  	[spmem:s18], [sflag:s22] =	dma.local @p1 [hbm:s1], $0x4F0  }
0xac: {  	_ =	swait.ge @p1 [sflag:s19], $0x4F0  }
0xad: {  	[sflag:s19] =	ssyncset.done @p1 $0x0  }
0xae: {  	[sflag:s19] =	ssyncadd.s32 @p1 $0xFFFFFB10  }
0xaf: {  	[bflag:$0x0] =	sbarrier.arrive @!p1 $0xFFFF  }
0xb0: {  	s30 =	simm.s32 $0x0;
	[bflag:$0x0] =	sbarrier.arrive $0xFFFF  }
0xb1: {  	[tilespmem:s30], [sflag:$0x1] =	stream.linear.gather [hbm4b:s16+s30], $0x1400, $0x38;
	[tilespmem:$0x16F8] =	vst v63  }
0xb2: {  	_ =	swait.ge [sflag:s10], $0x1400  }
0xb3: {  	[sflag:s10] =	ssyncset.done $0x0  }
0xb4: {  	s31 =	simm.s32 $0x0;
	[sflag:s10] =	ssyncadd.s32 $0xFFFFEC00  }
0xb5: {  	[spmem:s2] =	stream.indirect.scatter.add.f32 [tilespmem:s12], [sflag:$0x1], $0x1, s31, s11, $0xb8;
	[tilespmem:$0x16F8] =	vst v63  }
0xb6: {  	_ =	swait.ge [sflag:s10], $0x80  }
0xb7: {  	s18 =	simm.s32 $0x200;
	[sflag:s10] =	ssyncset.done $0x0  }
.LBB2_18:
0xb8: {  	s19 =	sshra.s32 s18, $0x2;
	[sflag:s10] =	ssyncadd.s32 $0xFFFFFF80;
	p2 =	sne.s32 s18, $0x4E00  }
0xb9: {  	[spmem:s2] =	stream.indirect.scatter.add.f32 [tilespmem:s12], [sflag:$0x1], $0x1, s19, s11, $0xb8;
	[tilespmem:$0x16F8] =	vst v63  }
.Ltmp8:
0xba: {  	_ = 	snop;
	(pc) =	sbr.rel @p2 .LBB2_18-.Ltmp8, $4  }
0xbb: {  	_ = 	snop  }
0xbc: {  	s18 =	sadd.s32 $0x200, s18  }
0xbd: {  	_ =	swait.ge [sflag:s10], $0x80  }
0xbe: {  	[sflag:s10] =	ssyncset.done $0x0  }
0xbf: {  	[sflag:s10] =	ssyncadd.s32 $0xFFFFFF80;
	s18 =	sadd.s32 $0x280, s16;
	s19 =	simm.s32 $0x0  }
0xc0: {  	[tilespmem:s19], [sflag:$0x1] =	stream.linear.gather [hbm4b:s18+s19], $0x1400, $0x38;
	[tilespmem:$0x16F8] =	vst v63  }
0xc1: {  	_ =	swait.ge [sflag:s10], $0x1400  }
0xc2: {  	[sflag:s10] =	ssyncset.done $0x0  }
0xc3: {  	s31 =	simm.s32 $0x0;
	[sflag:s10] =	ssyncadd.s32 $0xFFFFEC00  }
0xc4: {  	[spmem:s2] =	stream.indirect.scatter.add.f32 [tilespmem:s12], [sflag:$0x1], $0x1, s31, s11, $0xb8;
	[tilespmem:$0x16F8] =	vst v63  }
0xc5: {  	_ =	swait.ge [sflag:s10], $0x80  }
0xc6: {  	s18 =	simm.s32 $0x200;
	[sflag:s10] =	ssyncset.done $0x0  }
.LBB2_20:
0xc7: {  	s19 =	sshra.s32 s18, $0x2;
	[sflag:s10] =	ssyncadd.s32 $0xFFFFFF80;
	p2 =	sne.s32 s18, $0x4E00  }
0xc8: {  	[spmem:s2] =	stream.indirect.scatter.add.f32 [tilespmem:s12], [sflag:$0x1], $0x1, s19, s11, $0xb8;
	[tilespmem:$0x16F8] =	vst v63  }
.Ltmp9:
0xc9: {  	_ = 	snop;
	(pc) =	sbr.rel @p2 .LBB2_20-.Ltmp9, $4  }
0xca: {  	_ = 	snop  }
0xcb: {  	s18 =	sadd.s32 $0x200, s18  }
0xcc: {  	_ =	swait.ge [sflag:s10], $0x80  }
0xcd: {  	[sflag:s10] =	ssyncset.done $0x0  }
0xce: {  	[sflag:s10] =	ssyncadd.s32 $0xFFFFFF80;
	s18 =	sadd.s32 $0x500, s16;
	s19 =	simm.s32 $0x0  }
0xcf: {  	[tilespmem:s19], [sflag:$0x1] =	stream.linear.gather [hbm4b:s18+s19], $0x1400, $0x38;
	[tilespmem:$0x16F8] =	vst v63  }
0xd0: {  	_ =	swait.ge [sflag:s10], $0x1400  }
0xd1: {  	[sflag:s10] =	ssyncset.done $0x0  }
0xd2: {  	s31 =	simm.s32 $0x0;
	[sflag:s10] =	ssyncadd.s32 $0xFFFFEC00  }
0xd3: {  	[spmem:s2] =	stream.indirect.scatter.add.f32 [tilespmem:s12], [sflag:$0x1], $0x1, s31, s11, $0xb8;
	[tilespmem:$0x16F8] =	vst v63  }
0xd4: {  	_ =	swait.ge [sflag:s10], $0x80  }
0xd5: {  	s18 =	simm.s32 $0x200;
	[sflag:s10] =	ssyncset.done $0x0  }
.LBB2_22:
0xd6: {  	s19 =	sshra.s32 s18, $0x2;
	[sflag:s10] =	ssyncadd.s32 $0xFFFFFF80;
	p2 =	sne.s32 s18, $0x4E00  }
0xd7: {  	[spmem:s2] =	stream.indirect.scatter.add.f32 [tilespmem:s12], [sflag:$0x1], $0x1, s19, s11, $0xb8;
	[tilespmem:$0x16F8] =	vst v63  }
.Ltmp10:
0xd8: {  	_ = 	snop;
	(pc) =	sbr.rel @p2 .LBB2_22-.Ltmp10, $4  }
0xd9: {  	_ = 	snop  }
0xda: {  	s18 =	sadd.s32 $0x200, s18  }
0xdb: {  	_ =	swait.ge [sflag:s10], $0x80  }
0xdc: {  	[sflag:s10] =	ssyncset.done $0x0  }
0xdd: {  	[sflag:s10] =	ssyncadd.s32 $0xFFFFFF80;
	s18 =	sadd.s32 $0x780, s16;
	s19 =	simm.s32 $0x0  }
0xde: {  	[tilespmem:s19], [sflag:$0x1] =	stream.linear.gather [hbm4b:s18+s19], $0x1400, $0x38;
	[tilespmem:$0x16F8] =	vst v63  }
0xdf: {  	_ =	swait.ge [sflag:s10], $0x1400  }
0xe0: {  	[sflag:s10] =	ssyncset.done $0x0  }
0xe1: {  	s31 =	simm.s32 $0x0;
	[sflag:s10] =	ssyncadd.s32 $0xFFFFEC00  }
0xe2: {  	[spmem:s2] =	stream.indirect.scatter.add.f32 [tilespmem:s12], [sflag:$0x1], $0x1, s31, s11, $0xb8;
	[tilespmem:$0x16F8] =	vst v63  }
0xe3: {  	_ =	swait.ge [sflag:s10], $0x80  }
0xe4: {  	s18 =	simm.s32 $0x200;
	[sflag:s10] =	ssyncset.done $0x0  }
.LBB2_24:
0xe5: {  	s19 =	sshra.s32 s18, $0x2;
	[sflag:s10] =	ssyncadd.s32 $0xFFFFFF80;
	p2 =	sne.s32 s18, $0x4E00  }
0xe6: {  	[spmem:s2] =	stream.indirect.scatter.add.f32 [tilespmem:s12], [sflag:$0x1], $0x1, s19, s11, $0xb8;
	[tilespmem:$0x16F8] =	vst v63  }
.Ltmp11:
0xe7: {  	_ = 	snop;
	(pc) =	sbr.rel @p2 .LBB2_24-.Ltmp11, $4  }
0xe8: {  	_ = 	snop  }
0xe9: {  	s18 =	sadd.s32 $0x200, s18  }
0xea: {  	_ =	swait.ge [sflag:s10], $0x80  }
0xeb: {  	[sflag:s10] =	ssyncset.done $0x0  }
0xec: {  	[sflag:s10] =	ssyncadd.s32 $0xFFFFFF80;
	s18 =	simm.s32 @!p0 $0x1  }
0xed: {  	s19 =	simm.s32 @!p0 $0x80;
	s20 =	simm.s32 @!p0 $0x10;
	s17 =	sadd.s32 $0x1, s17  }
0xee: {  	s21 =	simm.s32 @!p0 $0x1C01;
	[bflag:$0x0] =	sbarrier.arrive $0xFFFF;
	p2 =	sne.s32 s17, s7  }
0xef: {  	[hbm:s6@s19], [sflag:s21] =	dma.strided @!p0 [spmem:s8@s20], $0x4F0, s18, $0x10   }
.Ltmp12:
0xf0: {  	_ =	swait.ge @!p0 [sflag:s18], $0x4F0;
	(pc) =	sbr.rel @p2 .LBB2_1-.Ltmp12, $3  }
0xf1: {  	[sflag:s18] =	ssyncset.done @!p0 $0x0  }
0xf2: {  	[sflag:s18] =	ssyncadd.s32 @!p0 $0xFFFFFB10  }
0xf3: {  	[bflag:$0x0] =	sbarrier.arrive $0xFFFF;
	_ =	sdelay $0x1  }
0xf4: {  	_ =	sfence.sel $0x180000  }
0xf5: {  	[bflag:$0x0] =	sbarrier.arrive $0xFFFF  }
0xf6: {  	_ =	strace $0x90000047  }
0xf7: {  	s0 =	sadd.s32 @!p0 $0x100000, s0;
	[bflag:$0x2] =	sbarrier.arrive $0xFFFF  }
0xf8: {  	[sflag:s0] =	ssyncadd.tile.s32 @!p0 $0x1;
	_ =	shalt  }
.Lfunc_end2:
_tile_overlayer_lowered:
.L_overlay_start_2:
0xf9: {  	(tag) =	ssettag $0x2  }
0xfa: {  	s0 =	rddreg [dreg:$0x0];
	s2 =	stileid.u32  }
0xfb: {  	s1 =	rddreg [dreg:$0x1];
	p0 =	sne.s32 s2, $0x0  }
0xfc: {  	s3 =	rddreg [dreg:$0x2];
	[bflag:$0x3] =	sbarrier.arrive $0xFFFF;
	s2 =	simm.s32 @!p0 $0x1C01  }
0xfd: {  	[timem:s3], [sflag:s2] =	dma.local @!p0 [hbm:s0], s1  }
0xfe: {  	s0 =	simm.s32 @!p0 $0x1  }
0xff: {  	_ =	swait.ge @!p0 [sflag:s0], s1  }
0x100: {  	s1 =	ssub.s32 @!p0 $0x0, s1;
	[sflag:s0] =	ssyncset.done @!p0 $0x0  }
0x101: {  	[sflag:s0] =	ssyncadd.s32 @!p0 s1  }
0x102: {  	[bflag:$0x3] =	sbarrier.arrive $0xFFFF  }
0x103: {  	_ =	shalt  }

</sc_bundles>
